<compile_context>
chip_gen: v7x
topology: tpu7x:2x2x1
jax: 0.10.2.dev20260603
libtpu: 0.0.44.dev20260713+nightly
codegen_flags: <defaults>
</compile_context>

<pallas_src>
import functools

import numpy as np

import jax
import jax.numpy as jnp
from jax import lax
from jax.experimental import pallas as pl
from jax.experimental.pallas import tpu as pltpu
from jax.experimental.pallas import tpu_sc as plsc

B = 16384
E = 128
L = 20
CD = 32

NC = 2
NS = 16
NW = NC * NS
BPW = B // NW
RC = 128
NCH = BPW * L // RC
NBUF = 2
CCH = 128
NCC = BPW // CCH

_sc_mesh = plsc.VectorSubcoreMesh(core_axis_name="c", subcore_axis_name="s")


@functools.partial(
    pl.kernel,
    out_type=(
        jax.ShapeDtypeStruct((B, E), jnp.float32),
        jax.ShapeDtypeStruct((B, CD), jnp.float32),
        jax.ShapeDtypeStruct((B, CD), jnp.float32),
    ),
    mesh=_sc_mesh,
    compiler_params=pltpu.CompilerParams(use_tc_tiling_on_sc=False),
    scratch_types=[
        pltpu.VMEM((NCH, RC), jnp.int32),
        pltpu.VMEM((NBUF, RC, E), jnp.float32),
        pltpu.VMEM((NCH, RC), jnp.int32),
        pltpu.VMEM((NCC, CCH), jnp.int32),
        pltpu.VMEM((CCH, CD), jnp.float32),
        pltpu.VMEM_SHARED((NS * BPW, E), jnp.float32),
        pltpu.SemaphoreType.DMA,
        pltpu.SemaphoreType.DMA((NBUF,)),
    ],
)
def _sc_gather(tidx_hbm, tseg_hbm, cidx_hbm, sidx_hbm, wemb_hbm, cemb_hbm, semb_hbm,
               ts_out, cv_out, sv_out,
               idx_v, rows_v, tgt_v, cidx_v, crows_v, acc_sh, sem, gsems):
    cid = lax.axis_index("c")
    sid = lax.axis_index("s")
    wid = sid * NC + cid
    base = wid * BPW
    sbase = sid * BPW

    pltpu.sync_copy(tidx_hbm.at[wid], idx_v)
    pltpu.sync_copy(tseg_hbm.at[sid], tgt_v)

    def zero_row(r, _):
        for g in range(E // 16):
            rows_v[0, r, pl.ds(g * 16, 16)] = jnp.zeros((16,), jnp.float32)
        return 0

    lax.fori_loop(0, CCH, zero_row, 0)
    for k in range(BPW // CCH):
        pltpu.sync_copy(rows_v.at[0], acc_sh.at[pl.ds(sbase + k * CCH, CCH)])

    for b in range(NBUF):
        pltpu.async_copy(wemb_hbm.at[idx_v.at[b]], rows_v.at[b], gsems.at[b])

    def title_chunk(j, _):
        for b in range(NBUF):
            @pl.when(j % NBUF == b)
            def _():
                pltpu.make_async_copy(
                    wemb_hbm.at[idx_v.at[0]], rows_v.at[b], gsems.at[b]
                ).wait()
                pltpu.sync_copy(rows_v.at[b], acc_sh.at[tgt_v.at[j]], add=True)
                nxt = j + NBUF

                @pl.when(nxt < NCH)
                def _():
                    pltpu.async_copy(
                        wemb_hbm.at[idx_v.at[nxt]], rows_v.at[b], gsems.at[b]
                    )

        return 0

    lax.fori_loop(0, NCH, title_chunk, 0)

    lax.fori_loop(0, CCH, zero_row, 0)
    pltpu.sync_copy(rows_v.at[0], acc_sh.at[tgt_v.at[0]], add=True)

    pltpu.sync_copy(cidx_hbm.at[wid], cidx_v)

    def cat_chunk(j, _):
        pltpu.async_copy(cemb_hbm.at[cidx_v.at[j]], crows_v, sem).wait()
        pltpu.sync_copy(crows_v, cv_out.at[pl.ds(base + j * CCH, CCH)])
        return 0

    lax.fori_loop(0, NCC, cat_chunk, 0)

    pltpu.sync_copy(sidx_hbm.at[wid], cidx_v)

    def subcat_chunk(j, _):
        pltpu.async_copy(semb_hbm.at[cidx_v.at[j]], crows_v, sem).wait()
        pltpu.sync_copy(crows_v, sv_out.at[pl.ds(base + j * CCH, CCH)])
        return 0

    lax.fori_loop(0, NCC, subcat_chunk, 0)

    pltpu.sync_copy(acc_sh.at[pl.ds(sbase, BPW)], ts_out.at[pl.ds(base, BPW)])


_BB = 2048


def _dense_body(ts_ref, cv_ref, sv_ref, wt_ref, bt_ref,
                wf1_ref, wf2_ref, wf3_ref, bf_ref, o_ref):
    tv = jnp.dot(ts_ref[...], wt_ref[...], preferred_element_type=jnp.float32)
    tv = jnp.maximum(tv + bt_ref[...], 0.0)
    acc = jnp.dot(tv, wf1_ref[...], preferred_element_type=jnp.float32)
    acc = acc + jnp.dot(cv_ref[...], wf2_ref[...], preferred_element_type=jnp.float32)
    acc = acc + jnp.dot(sv_ref[...], wf3_ref[...], preferred_element_type=jnp.float32)
    o_ref[...] = jnp.maximum(acc + bf_ref[...], 0.0)


_dense = pl.pallas_call(
    _dense_body,
    grid=(B // _BB,),
    in_specs=[
        pl.BlockSpec((_BB, E), lambda i: (i, 0)),
        pl.BlockSpec((_BB, CD), lambda i: (i, 0)),
        pl.BlockSpec((_BB, CD), lambda i: (i, 0)),
        pl.BlockSpec((E, CD), lambda i: (0, 0)),
        pl.BlockSpec((1, CD), lambda i: (0, 0)),
        pl.BlockSpec((CD, E), lambda i: (0, 0)),
        pl.BlockSpec((CD, E), lambda i: (0, 0)),
        pl.BlockSpec((CD, E), lambda i: (0, 0)),
        pl.BlockSpec((1, E), lambda i: (0, 0)),
    ],
    out_specs=pl.BlockSpec((_BB, E), lambda i: (i, 0)),
    out_shape=jax.ShapeDtypeStruct((B, E), jnp.float32),
)


def kernel(title, category, subcategory, word_emb, cat_emb, subcat_emb,
           W_title, b_title, W_final, b_final):
    tidx = title.astype(jnp.int32).reshape(NW, NCH, RC)
    tseg = jnp.asarray(
        (np.arange(NS) * BPW)[:, None, None]
        + (np.arange(NCH * RC) // L).reshape(NCH, RC)[None],
        dtype=jnp.int32,
    )
    cidx = category.astype(jnp.int32).reshape(NW, NCC, CCH)
    sidx = subcategory.astype(jnp.int32).reshape(NW, NCC, CCH)
    ts, cv, sv = _sc_gather(tidx, tseg, cidx, sidx, word_emb, cat_emb, subcat_emb)
    return _dense(
        ts, cv, sv,
        W_title * jnp.float32(1.0 / L),
        b_title.reshape(1, CD),
        W_final[:CD],
        W_final[CD:2 * CD],
        W_final[2 * CD:],
        b_final.reshape(1, E),
    )

# --- scband reference (transcript-rebuilt; emitter-appended) ---
"""Pipeline reference for scband-news-encoder-84258668413134 (READ-ONLY COPY).

The authoritative reference and input builder live on the scoring server;
editing this copy changes nothing except your own understanding.
"""

import jax, jax.numpy as jnp
import numpy as np

VOCAB = 100000
CAT_VOCAB = 1000
SUBCAT_VOCAB = 1000
EMBED_DIM = 128
TITLE_DIM = 32
CAT_DIM = 32
BATCH = 16384
TITLE_LEN = 20


def setup_inputs(seed: int = 0) -> dict:
    key = jax.random.key(seed)
    ks = jax.random.split(key, 12)
    title = jax.random.randint(ks[0], (BATCH, TITLE_LEN), 0, VOCAB, dtype=jnp.int64 if jax.config.jax_enable_x64 else jnp.int32)
    category = jax.random.randint(ks[1], (BATCH,), 0, CAT_VOCAB, dtype=jnp.int32)
    subcategory = jax.random.randint(ks[2], (BATCH,), 0, SUBCAT_VOCAB, dtype=jnp.int32)
    # parameters (padding_idx=0 rows zeroed, as in torch nn.Embedding(padding_idx=0))
    word_emb = jax.random.normal(ks[3], (VOCAB, EMBED_DIM), dtype=jnp.float32) * 0.02
    word_emb = word_emb.at[0].set(0.0)
    cat_emb = jax.random.normal(ks[4], (CAT_VOCAB, CAT_DIM), dtype=jnp.float32) * 0.02
    cat_emb = cat_emb.at[0].set(0.0)
    subcat_emb = jax.random.normal(ks[5], (SUBCAT_VOCAB, CAT_DIM), dtype=jnp.float32) * 0.02
    subcat_emb = subcat_emb.at[0].set(0.0)
    W_title = jax.random.normal(ks[6], (EMBED_DIM, TITLE_DIM), dtype=jnp.float32) * (1.0 / np.sqrt(EMBED_DIM))
    b_title = jnp.zeros((TITLE_DIM,), dtype=jnp.float32)
    W_final = jax.random.normal(ks[7], (TITLE_DIM + 2 * CAT_DIM, EMBED_DIM), dtype=jnp.float32) * (1.0 / np.sqrt(TITLE_DIM + 2 * CAT_DIM))
    b_final = jnp.zeros((EMBED_DIM,), dtype=jnp.float32)
    return {
        "title": title,
        "category": category,
        "subcategory": subcategory,
        "word_emb": word_emb,
        "cat_emb": cat_emb,
        "subcat_emb": subcat_emb,
        "W_title": W_title,
        "b_title": b_title,
        "W_final": W_final,
        "b_final": b_final,
    }


def reference(title, category, subcategory, word_emb, cat_emb, subcat_emb, W_title, b_title, W_final, b_final):
    title_embed = jnp.take(word_emb, title, axis=0)           # [B, L, E]
    title_vec = jnp.mean(title_embed, axis=1)                  # [B, E]
    title_vec = jax.nn.relu(title_vec @ W_title + b_title)     # [B, title_dim]
    cat_vec = jnp.take(cat_emb, category, axis=0)              # [B, cat_dim]
    subcat_vec = jnp.take(subcat_emb, subcategory, axis=0)     # [B, cat_dim]
    combined = jnp.concatenate([title_vec, cat_vec, subcat_vec], axis=1)
    return jax.nn.relu(combined @ W_final + b_final)           # [B, E]


if False:  # reference __main__ guard neutralized (emitter)
    out = reference(**setup_inputs())
    print(out.shape, out.dtype)

if __name__ == "__main__":
    import jax
    _d = setup_inputs()
    print(jax.jit(kernel)(*tuple(_d.values())))

</pallas_src>

<mosaic_0001>
#map = affine_map<(d0, d1) -> (0, 0, 0)>
#map1 = affine_map<(d0, d1) -> (0, 0)>
module attributes {stable_mosaic.version = 14 : i64} {
  func.func @_sc_gather(%arg0: i32, %arg1: i32, %arg2: memref<32x80x128xi32, #tpu.memory_space<hbm>>, %arg3: memref<16x80x128xi32, #tpu.memory_space<hbm>>, %arg4: memref<32x4x128xi32, #tpu.memory_space<hbm>>, %arg5: memref<32x4x128xi32, #tpu.memory_space<hbm>>, %arg6: memref<100000x128xf32, #tpu.memory_space<hbm>>, %arg7: memref<1000x32xf32, #tpu.memory_space<hbm>>, %arg8: memref<1000x32xf32, #tpu.memory_space<hbm>>, %arg9: memref<16384x128xf32, #tpu.memory_space<hbm>>, %arg10: memref<16384x32xf32, #tpu.memory_space<hbm>>, %arg11: memref<16384x32xf32, #tpu.memory_space<hbm>>, %arg12: memref<80x128xi32, #tpu.memory_space<vmem>>, %arg13: memref<2x128x128xf32, #tpu.memory_space<vmem>>, %arg14: memref<80x128xi32, #tpu.memory_space<vmem>>, %arg15: memref<4x128xi32, #tpu.memory_space<vmem>>, %arg16: memref<128x32xf32, #tpu.memory_space<vmem>>, %arg17: memref<8192x128xf32, #tpu.memory_space<vmem_shared>>, %arg18: memref<!tpu.dma_semaphore, #tpu.memory_space<semaphore_mem>>, %arg19: memref<2x!tpu.dma_semaphore, #tpu.memory_space<semaphore_mem>>) attributes {dimension_semantics = [#tpu.dimension_semantics<core_parallel>, #tpu.dimension_semantics<subcore_parallel>], iteration_bounds = array<i64: 2, 16>, scalar_prefetch = 0 : i64, scratch_operands = 8 : i64, tpu.core_type = #tpu.core_type<sc_vector_subcore>, window_params = [{transform_indices = #map}, {transform_indices = #map}, {transform_indices = #map}, {transform_indices = #map}, {transform_indices = #map1}, {transform_indices = #map1}, {transform_indices = #map1}, {transform_indices = #map1}, {transform_indices = #map1}, {transform_indices = #map1}]} {
    %mul3A = arith.constant 2 : i32
    %mul3A_0 = arith.muli %arg1, %mul3A : i32
    %add3A = arith.addi %mul3A_0, %arg0 : i32
    %mul3A_1 = arith.constant 512 : i32
    %mul3A_2 = arith.muli %add3A, %mul3A_1 : i32
    %mul3A_3 = arith.constant 512 : i32
    %mul3A_4 = arith.muli %arg1, %mul3A_3 : i32
    "tpu.region"() ({
      %run_scoped3A_81 = tpu.sem_alloc : memref<!tpu.dma_semaphore, #tpu.memory_space<semaphore_mem>>
      %dma_start3A_82 = arith.constant 0 : i32
      %dma_start3A_83 = arith.constant 0 : i32
      %dma_start3A_84 = tpu.memref_slice %arg2[%add3A, %dma_start3A_82, %dma_start3A_83] : memref<32x80x128xi32, #tpu.memory_space<hbm>> -> memref<1x80x128xi32, #tpu.memory_space<hbm>>
      %dma_start3A_85 = tpu.memref_squeeze %dma_start3A_84 : memref<1x80x128xi32, #tpu.memory_space<hbm>> -> memref<80x128xi32, #tpu.memory_space<hbm>>
      %dma_start3A_86 = arith.constant 0 : i32
      %dma_start3A_87 = arith.constant 0 : i32
      %dma_start3A_88 = tpu.memref_slice %arg2[%add3A, %dma_start3A_86, %dma_start3A_87] : memref<32x80x128xi32, #tpu.memory_space<hbm>> -> memref<1x80x128xi32, #tpu.memory_space<hbm>>
      %dma_start3A_89 = tpu.memref_squeeze %dma_start3A_88 : memref<1x80x128xi32, #tpu.memory_space<hbm>> -> memref<80x128xi32, #tpu.memory_space<hbm>>
      tpu.enqueue_dma source(%dma_start3A_89 : memref<80x128xi32, #tpu.memory_space<hbm>>) target(%arg12 : memref<80x128xi32, #tpu.memory_space<vmem>>) target_semaphore(%run_scoped3A_81 : memref<!tpu.dma_semaphore, #tpu.memory_space<semaphore_mem>>)
      %dma_wait3A = arith.constant 0 : i32
      %dma_wait3A_90 = arith.constant 0 : i32
      %dma_wait3A_91 = tpu.memref_slice %arg2[%add3A, %dma_wait3A, %dma_wait3A_90] : memref<32x80x128xi32, #tpu.memory_space<hbm>> -> memref<1x80x128xi32, #tpu.memory_space<hbm>>
      %dma_wait3A_92 = tpu.memref_squeeze %dma_wait3A_91 : memref<1x80x128xi32, #tpu.memory_space<hbm>> -> memref<80x128xi32, #tpu.memory_space<hbm>>
      %dma_wait3A_93 = arith.constant 0 : i32
      %dma_wait3A_94 = arith.constant 0 : i32
      %dma_wait3A_95 = tpu.memref_slice %arg2[%add3A, %dma_wait3A_93, %dma_wait3A_94] : memref<32x80x128xi32, #tpu.memory_space<hbm>> -> memref<1x80x128xi32, #tpu.memory_space<hbm>>
      %dma_wait3A_96 = tpu.memref_squeeze %dma_wait3A_95 : memref<1x80x128xi32, #tpu.memory_space<hbm>> -> memref<80x128xi32, #tpu.memory_space<hbm>>
      tpu.wait_dma2 semaphore(%run_scoped3A_81 : memref<!tpu.dma_semaphore, #tpu.memory_space<semaphore_mem>>) src(%dma_wait3A_96 : memref<80x128xi32, #tpu.memory_space<hbm>>) dst(%arg12 : memref<80x128xi32, #tpu.memory_space<vmem>>)
      tpu.yield
    }) : () -> ()
    "tpu.region"() ({
      %run_scoped3A_81 = tpu.sem_alloc : memref<!tpu.dma_semaphore, #tpu.memory_space<semaphore_mem>>
      %dma_start3A_82 = arith.constant 0 : i32
      %dma_start3A_83 = arith.constant 0 : i32
      %dma_start3A_84 = tpu.memref_slice %arg3[%arg1, %dma_start3A_82, %dma_start3A_83] : memref<16x80x128xi32, #tpu.memory_space<hbm>> -> memref<1x80x128xi32, #tpu.memory_space<hbm>>
      %dma_start3A_85 = tpu.memref_squeeze %dma_start3A_84 : memref<1x80x128xi32, #tpu.memory_space<hbm>> -> memref<80x128xi32, #tpu.memory_space<hbm>>
      %dma_start3A_86 = arith.constant 0 : i32
      %dma_start3A_87 = arith.constant 0 : i32
      %dma_start3A_88 = tpu.memref_slice %arg3[%arg1, %dma_start3A_86, %dma_start3A_87] : memref<16x80x128xi32, #tpu.memory_space<hbm>> -> memref<1x80x128xi32, #tpu.memory_space<hbm>>
      %dma_start3A_89 = tpu.memref_squeeze %dma_start3A_88 : memref<1x80x128xi32, #tpu.memory_space<hbm>> -> memref<80x128xi32, #tpu.memory_space<hbm>>
      tpu.enqueue_dma source(%dma_start3A_89 : memref<80x128xi32, #tpu.memory_space<hbm>>) target(%arg14 : memref<80x128xi32, #tpu.memory_space<vmem>>) target_semaphore(%run_scoped3A_81 : memref<!tpu.dma_semaphore, #tpu.memory_space<semaphore_mem>>)
      %dma_wait3A = arith.constant 0 : i32
      %dma_wait3A_90 = arith.constant 0 : i32
      %dma_wait3A_91 = tpu.memref_slice %arg3[%arg1, %dma_wait3A, %dma_wait3A_90] : memref<16x80x128xi32, #tpu.memory_space<hbm>> -> memref<1x80x128xi32, #tpu.memory_space<hbm>>
      %dma_wait3A_92 = tpu.memref_squeeze %dma_wait3A_91 : memref<1x80x128xi32, #tpu.memory_space<hbm>> -> memref<80x128xi32, #tpu.memory_space<hbm>>
      %dma_wait3A_93 = arith.constant 0 : i32
      %dma_wait3A_94 = arith.constant 0 : i32
      %dma_wait3A_95 = tpu.memref_slice %arg3[%arg1, %dma_wait3A_93, %dma_wait3A_94] : memref<16x80x128xi32, #tpu.memory_space<hbm>> -> memref<1x80x128xi32, #tpu.memory_space<hbm>>
      %dma_wait3A_96 = tpu.memref_squeeze %dma_wait3A_95 : memref<1x80x128xi32, #tpu.memory_space<hbm>> -> memref<80x128xi32, #tpu.memory_space<hbm>>
      tpu.wait_dma2 semaphore(%run_scoped3A_81 : memref<!tpu.dma_semaphore, #tpu.memory_space<semaphore_mem>>) src(%dma_wait3A_96 : memref<80x128xi32, #tpu.memory_space<hbm>>) dst(%arg14 : memref<80x128xi32, #tpu.memory_space<vmem>>)
      tpu.yield
    }) : () -> ()
    %scan3A = arith.constant 0 : i32
    %scan3A_5 = arith.constant 0 : i32
    %scan3A_6 = arith.constant 128 : i32
    %scan3A_7 = arith.addi %scan3A_5, %scan3A_6 : i32
    %scan3A_8 = arith.constant 1 : i32
    %scan3A_9 = scf.for %scan3A_81 = %scan3A_5 to %scan3A_7 step %scan3A_8 iter_args(%scan3A_82 = %scan3A) -> (i32)  : i32 {
      %broadcast_in_dim3A = arith.constant 0.000000e+00 : f32
      %broadcast_in_dim3A_83 = vector.broadcast %broadcast_in_dim3A : f32 to vector<16xf32>
      %swap3A = arith.constant 0 : i32
      %swap3A_84 = arith.index_cast %swap3A : i32 to index
      %swap3A_85 = arith.index_cast %scan3A_81 : i32 to index
      %swap3A_86 = arith.constant 0 : index
      %swap3A_87 = tpu.vector_load %arg13[%swap3A_84, %swap3A_85, %swap3A_86] {strides = array<i32>} : memref<2x128x128xf32, #tpu.memory_space<vmem>>, vector<1x1x16xf32>,
      %swap3A_88 = vector.shape_cast %swap3A_87 : vector<1x1x16xf32> to vector<16xf32>
      %swap3A_89 = vector.shape_cast %broadcast_in_dim3A_83 : vector<16xf32> to vector<1x1x16xf32>
      tpu.vector_store %arg13[%swap3A_84, %swap3A_85, %swap3A_86], %swap3A_89 {strides = array<i32>} : memref<2x128x128xf32, #tpu.memory_space<vmem>>, vector<1x1x16xf32>,
      %broadcast_in_dim3A_90 = arith.constant 0.000000e+00 : f32
      %broadcast_in_dim3A_91 = vector.broadcast %broadcast_in_dim3A_90 : f32 to vector<16xf32>
      %swap3A_92 = arith.constant 0 : i32
      %swap3A_93 = arith.index_cast %swap3A_92 : i32 to index
      %swap3A_94 = arith.index_cast %scan3A_81 : i32 to index
      %swap3A_95 = arith.constant 16 : index
      %swap3A_96 = tpu.vector_load %arg13[%swap3A_93, %swap3A_94, %swap3A_95] {strides = array<i32>} : memref<2x128x128xf32, #tpu.memory_space<vmem>>, vector<1x1x16xf32>,
      %swap3A_97 = vector.shape_cast %swap3A_96 : vector<1x1x16xf32> to vector<16xf32>
      %swap3A_98 = vector.shape_cast %broadcast_in_dim3A_91 : vector<16xf32> to vector<1x1x16xf32>
      tpu.vector_store %arg13[%swap3A_93, %swap3A_94, %swap3A_95], %swap3A_98 {strides = array<i32>} : memref<2x128x128xf32, #tpu.memory_space<vmem>>, vector<1x1x16xf32>,
      %broadcast_in_dim3A_99 = arith.constant 0.000000e+00 : f32
      %broadcast_in_dim3A_100 = vector.broadcast %broadcast_in_dim3A_99 : f32 to vector<16xf32>
      %swap3A_101 = arith.constant 0 : i32
      %swap3A_102 = arith.index_cast %swap3A_101 : i32 to index
      %swap3A_103 = arith.index_cast %scan3A_81 : i32 to index
      %swap3A_104 = arith.constant 32 : index
      %swap3A_105 = tpu.vector_load %arg13[%swap3A_102, %swap3A_103, %swap3A_104] {strides = array<i32>} : memref<2x128x128xf32, #tpu.memory_space<vmem>>, vector<1x1x16xf32>,
      %swap3A_106 = vector.shape_cast %swap3A_105 : vector<1x1x16xf32> to vector<16xf32>
      %swap3A_107 = vector.shape_cast %broadcast_in_dim3A_100 : vector<16xf32> to vector<1x1x16xf32>
      tpu.vector_store %arg13[%swap3A_102, %swap3A_103, %swap3A_104], %swap3A_107 {strides = array<i32>} : memref<2x128x128xf32, #tpu.memory_space<vmem>>, vector<1x1x16xf32>,
      %broadcast_in_dim3A_108 = arith.constant 0.000000e+00 : f32
      %broadcast_in_dim3A_109 = vector.broadcast %broadcast_in_dim3A_108 : f32 to vector<16xf32>
      %swap3A_110 = arith.constant 0 : i32
      %swap3A_111 = arith.index_cast %swap3A_110 : i32 to index
      %swap3A_112 = arith.index_cast %scan3A_81 : i32 to index
      %swap3A_113 = arith.constant 48 : index
      %swap3A_114 = tpu.vector_load %arg13[%swap3A_111, %swap3A_112, %swap3A_113] {strides = array<i32>} : memref<2x128x128xf32, #tpu.memory_space<vmem>>, vector<1x1x16xf32>,
      %swap3A_115 = vector.shape_cast %swap3A_114 : vector<1x1x16xf32> to vector<16xf32>
      %swap3A_116 = vector.shape_cast %broadcast_in_dim3A_109 : vector<16xf32> to vector<1x1x16xf32>
      tpu.vector_store %arg13[%swap3A_111, %swap3A_112, %swap3A_113], %swap3A_116 {strides = array<i32>} : memref<2x128x128xf32, #tpu.memory_space<vmem>>, vector<1x1x16xf32>,
      %broadcast_in_dim3A_117 = arith.constant 0.000000e+00 : f32
      %broadcast_in_dim3A_118 = vector.broadcast %broadcast_in_dim3A_117 : f32 to vector<16xf32>
      %swap3A_119 = arith.constant 0 : i32
      %swap3A_120 = arith.index_cast %swap3A_119 : i32 to index
      %swap3A_121 = arith.index_cast %scan3A_81 : i32 to index
      %swap3A_122 = arith.constant 64 : index
      %swap3A_123 = tpu.vector_load %arg13[%swap3A_120, %swap3A_121, %swap3A_122] {strides = array<i32>} : memref<2x128x128xf32, #tpu.memory_space<vmem>>, vector<1x1x16xf32>,
      %swap3A_124 = vector.shape_cast %swap3A_123 : vector<1x1x16xf32> to vector<16xf32>
      %swap3A_125 = vector.shape_cast %broadcast_in_dim3A_118 : vector<16xf32> to vector<1x1x16xf32>
      tpu.vector_store %arg13[%swap3A_120, %swap3A_121, %swap3A_122], %swap3A_125 {strides = array<i32>} : memref<2x128x128xf32, #tpu.memory_space<vmem>>, vector<1x1x16xf32>,
      %broadcast_in_dim3A_126 = arith.constant 0.000000e+00 : f32
      %broadcast_in_dim3A_127 = vector.broadcast %broadcast_in_dim3A_126 : f32 to vector<16xf32>
      %swap3A_128 = arith.constant 0 : i32
      %swap3A_129 = arith.index_cast %swap3A_128 : i32 to index
      %swap3A_130 = arith.index_cast %scan3A_81 : i32 to index
      %swap3A_131 = arith.constant 80 : index
      %swap3A_132 = tpu.vector_load %arg13[%swap3A_129, %swap3A_130, %swap3A_131] {strides = array<i32>} : memref<2x128x128xf32, #tpu.memory_space<vmem>>, vector<1x1x16xf32>,
      %swap3A_133 = vector.shape_cast %swap3A_132 : vector<1x1x16xf32> to vector<16xf32>
      %swap3A_134 = vector.shape_cast %broadcast_in_dim3A_127 : vector<16xf32> to vector<1x1x16xf32>
      tpu.vector_store %arg13[%swap3A_129, %swap3A_130, %swap3A_131], %swap3A_134 {strides = array<i32>} : memref<2x128x128xf32, #tpu.memory_space<vmem>>, vector<1x1x16xf32>,
      %broadcast_in_dim3A_135 = arith.constant 0.000000e+00 : f32
      %broadcast_in_dim3A_136 = vector.broadcast %broadcast_in_dim3A_135 : f32 to vector<16xf32>
      %swap3A_137 = arith.constant 0 : i32
      %swap3A_138 = arith.index_cast %swap3A_137 : i32 to index
      %swap3A_139 = arith.index_cast %scan3A_81 : i32 to index
      %swap3A_140 = arith.constant 96 : index
      %swap3A_141 = tpu.vector_load %arg13[%swap3A_138, %swap3A_139, %swap3A_140] {strides = array<i32>} : memref<2x128x128xf32, #tpu.memory_space<vmem>>, vector<1x1x16xf32>,
      %swap3A_142 = vector.shape_cast %swap3A_141 : vector<1x1x16xf32> to vector<16xf32>
      %swap3A_143 = vector.shape_cast %broadcast_in_dim3A_136 : vector<16xf32> to vector<1x1x16xf32>
      tpu.vector_store %arg13[%swap3A_138, %swap3A_139, %swap3A_140], %swap3A_143 {strides = array<i32>} : memref<2x128x128xf32, #tpu.memory_space<vmem>>, vector<1x1x16xf32>,
      %broadcast_in_dim3A_144 = arith.constant 0.000000e+00 : f32
      %broadcast_in_dim3A_145 = vector.broadcast %broadcast_in_dim3A_144 : f32 to vector<16xf32>
      %swap3A_146 = arith.constant 0 : i32
      %swap3A_147 = arith.index_cast %swap3A_146 : i32 to index
      %swap3A_148 = arith.index_cast %scan3A_81 : i32 to index
      %swap3A_149 = arith.constant 112 : index
      %swap3A_150 = tpu.vector_load %arg13[%swap3A_147, %swap3A_148, %swap3A_149] {strides = array<i32>} : memref<2x128x128xf32, #tpu.memory_space<vmem>>, vector<1x1x16xf32>,
      %swap3A_151 = vector.shape_cast %swap3A_150 : vector<1x1x16xf32> to vector<16xf32>
      %swap3A_152 = vector.shape_cast %broadcast_in_dim3A_145 : vector<16xf32> to vector<1x1x16xf32>
      tpu.vector_store %arg13[%swap3A_147, %swap3A_148, %swap3A_149], %swap3A_152 {strides = array<i32>} : memref<2x128x128xf32, #tpu.memory_space<vmem>>, vector<1x1x16xf32>,
      %scan3A_153 = arith.constant 0 : i32
      scf.yield %scan3A_153 : i32
    }
    %scan3A_10 = arith.constant 128 : i32
    %add3A_11 = arith.constant 0 : i32
    %add3A_12 = arith.addi %mul3A_4, %add3A_11 : i32
    %run_scoped3A = arith.constant 0 : i32
    "tpu.region"() ({
      %run_scoped3A_81 = tpu.sem_alloc : memref<!tpu.dma_semaphore, #tpu.memory_space<semaphore_mem>>
      %dma_start3A_82 = arith.constant 0 : i32
      %dma_start3A_83 = arith.constant 0 : i32
      %dma_start3A_84 = tpu.memref_slice %arg13[%run_scoped3A, %dma_start3A_82, %dma_start3A_83] : memref<2x128x128xf32, #tpu.memory_space<vmem>> -> memref<1x128x128xf32, #tpu.memory_space<vmem>>
      %dma_start3A_85 = tpu.memref_squeeze %dma_start3A_84 : memref<1x128x128xf32, #tpu.memory_space<vmem>> -> memref<128x128xf32, #tpu.memory_space<vmem>>
      %dma_start3A_86 = arith.constant 0 : i32
      %dma_start3A_87 = tpu.memref_slice %arg17[%add3A_12, %dma_start3A_86] : memref<8192x128xf32, #tpu.memory_space<vmem_shared>> -> memref<128x128xf32, #tpu.memory_space<vmem_shared>>
      %dma_start3A_88 = arith.constant 0 : i32
      %dma_start3A_89 = tpu.memref_slice %arg17[%add3A_12, %dma_start3A_88] : memref<8192x128xf32, #tpu.memory_space<vmem_shared>> -> memref<128x128xf32, #tpu.memory_space<vmem_shared>>
      %dma_start3A_90 = arith.constant 0 : i32
      %dma_start3A_91 = arith.constant 0 : i32
      %dma_start3A_92 = tpu.memref_slice %arg13[%run_scoped3A, %dma_start3A_90, %dma_start3A_91] : memref<2x128x128xf32, #tpu.memory_space<vmem>> -> memref<1x128x128xf32, #tpu.memory_space<vmem>>
      %dma_start3A_93 = tpu.memref_squeeze %dma_start3A_92 : memref<1x128x128xf32, #tpu.memory_space<vmem>> -> memref<128x128xf32, #tpu.memory_space<vmem>>
      tpu.enqueue_dma source(%dma_start3A_93 : memref<128x128xf32, #tpu.memory_space<vmem>>) target(%dma_start3A_89 : memref<128x128xf32, #tpu.memory_space<vmem_shared>>) target_semaphore(%run_scoped3A_81 : memref<!tpu.dma_semaphore, #tpu.memory_space<semaphore_mem>>)
      %dma_wait3A = arith.constant 0 : i32
      %dma_wait3A_94 = arith.constant 0 : i32
      %dma_wait3A_95 = tpu.memref_slice %arg13[%run_scoped3A, %dma_wait3A, %dma_wait3A_94] : memref<2x128x128xf32, #tpu.memory_space<vmem>> -> memref<1x128x128xf32, #tpu.memory_space<vmem>>
      %dma_wait3A_96 = tpu.memref_squeeze %dma_wait3A_95 : memref<1x128x128xf32, #tpu.memory_space<vmem>> -> memref<128x128xf32, #tpu.memory_space<vmem>>
      %dma_wait3A_97 = arith.constant 0 : i32
      %dma_wait3A_98 = tpu.memref_slice %arg17[%add3A_12, %dma_wait3A_97] : memref<8192x128xf32, #tpu.memory_space<vmem_shared>> -> memref<128x128xf32, #tpu.memory_space<vmem_shared>>
      %dma_wait3A_99 = arith.constant 0 : i32
      %dma_wait3A_100 = tpu.memref_slice %arg17[%add3A_12, %dma_wait3A_99] : memref<8192x128xf32, #tpu.memory_space<vmem_shared>> -> memref<128x128xf32, #tpu.memory_space<vmem_shared>>
      %dma_wait3A_101 = arith.constant 0 : i32
      %dma_wait3A_102 = arith.constant 0 : i32
      %dma_wait3A_103 = tpu.memref_slice %arg13[%run_scoped3A, %dma_wait3A_101, %dma_wait3A_102] : memref<2x128x128xf32, #tpu.memory_space<vmem>> -> memref<1x128x128xf32, #tpu.memory_space<vmem>>
      %dma_wait3A_104 = tpu.memref_squeeze %dma_wait3A_103 : memref<1x128x128xf32, #tpu.memory_space<vmem>> -> memref<128x128xf32, #tpu.memory_space<vmem>>
      tpu.wait_dma2 semaphore(%run_scoped3A_81 : memref<!tpu.dma_semaphore, #tpu.memory_space<semaphore_mem>>) src(%dma_wait3A_104 : memref<128x128xf32, #tpu.memory_space<vmem>>) dst(%dma_wait3A_100 : memref<128x128xf32, #tpu.memory_space<vmem_shared>>)
      tpu.yield
    }) : () -> ()
    %add3A_13 = arith.constant 128 : i32
    %add3A_14 = arith.addi %mul3A_4, %add3A_13 : i32
    %run_scoped3A_15 = arith.constant 0 : i32
    "tpu.region"() ({
      %run_scoped3A_81 = tpu.sem_alloc : memref<!tpu.dma_semaphore, #tpu.memory_space<semaphore_mem>>
      %dma_start3A_82 = arith.constant 0 : i32
      %dma_start3A_83 = arith.constant 0 : i32
      %dma_start3A_84 = tpu.memref_slice %arg13[%run_scoped3A_15, %dma_start3A_82, %dma_start3A_83] : memref<2x128x128xf32, #tpu.memory_space<vmem>> -> memref<1x128x128xf32, #tpu.memory_space<vmem>>
      %dma_start3A_85 = tpu.memref_squeeze %dma_start3A_84 : memref<1x128x128xf32, #tpu.memory_space<vmem>> -> memref<128x128xf32, #tpu.memory_space<vmem>>
      %dma_start3A_86 = arith.constant 0 : i32
      %dma_start3A_87 = tpu.memref_slice %arg17[%add3A_14, %dma_start3A_86] : memref<8192x128xf32, #tpu.memory_space<vmem_shared>> -> memref<128x128xf32, #tpu.memory_space<vmem_shared>>
      %dma_start3A_88 = arith.constant 0 : i32
      %dma_start3A_89 = tpu.memref_slice %arg17[%add3A_14, %dma_start3A_88] : memref<8192x128xf32, #tpu.memory_space<vmem_shared>> -> memref<128x128xf32, #tpu.memory_space<vmem_shared>>
      %dma_start3A_90 = arith.constant 0 : i32
      %dma_start3A_91 = arith.constant 0 : i32
      %dma_start3A_92 = tpu.memref_slice %arg13[%run_scoped3A_15, %dma_start3A_90, %dma_start3A_91] : memref<2x128x128xf32, #tpu.memory_space<vmem>> -> memref<1x128x128xf32, #tpu.memory_space<vmem>>
      %dma_start3A_93 = tpu.memref_squeeze %dma_start3A_92 : memref<1x128x128xf32, #tpu.memory_space<vmem>> -> memref<128x128xf32, #tpu.memory_space<vmem>>
      tpu.enqueue_dma source(%dma_start3A_93 : memref<128x128xf32, #tpu.memory_space<vmem>>) target(%dma_start3A_89 : memref<128x128xf32, #tpu.memory_space<vmem_shared>>) target_semaphore(%run_scoped3A_81 : memref<!tpu.dma_semaphore, #tpu.memory_space<semaphore_mem>>)
      %dma_wait3A = arith.constant 0 : i32
      %dma_wait3A_94 = arith.constant 0 : i32
      %dma_wait3A_95 = tpu.memref_slice %arg13[%run_scoped3A_15, %dma_wait3A, %dma_wait3A_94] : memref<2x128x128xf32, #tpu.memory_space<vmem>> -> memref<1x128x128xf32, #tpu.memory_space<vmem>>
      %dma_wait3A_96 = tpu.memref_squeeze %dma_wait3A_95 : memref<1x128x128xf32, #tpu.memory_space<vmem>> -> memref<128x128xf32, #tpu.memory_space<vmem>>
      %dma_wait3A_97 = arith.constant 0 : i32
      %dma_wait3A_98 = tpu.memref_slice %arg17[%add3A_14, %dma_wait3A_97] : memref<8192x128xf32, #tpu.memory_space<vmem_shared>> -> memref<128x128xf32, #tpu.memory_space<vmem_shared>>
      %dma_wait3A_99 = arith.constant 0 : i32
      %dma_wait3A_100 = tpu.memref_slice %arg17[%add3A_14, %dma_wait3A_99] : memref<8192x128xf32, #tpu.memory_space<vmem_shared>> -> memref<128x128xf32, #tpu.memory_space<vmem_shared>>
      %dma_wait3A_101 = arith.constant 0 : i32
      %dma_wait3A_102 = arith.constant 0 : i32
      %dma_wait3A_103 = tpu.memref_slice %arg13[%run_scoped3A_15, %dma_wait3A_101, %dma_wait3A_102] : memref<2x128x128xf32, #tpu.memory_space<vmem>> -> memref<1x128x128xf32, #tpu.memory_space<vmem>>
      %dma_wait3A_104 = tpu.memref_squeeze %dma_wait3A_103 : memref<1x128x128xf32, #tpu.memory_space<vmem>> -> memref<128x128xf32, #tpu.memory_space<vmem>>
      tpu.wait_dma2 semaphore(%run_scoped3A_81 : memref<!tpu.dma_semaphore, #tpu.memory_space<semaphore_mem>>) src(%dma_wait3A_104 : memref<128x128xf32, #tpu.memory_space<vmem>>) dst(%dma_wait3A_100 : memref<128x128xf32, #tpu.memory_space<vmem_shared>>)
      tpu.yield
    }) : () -> ()
    %add3A_16 = arith.constant 256 : i32
    %add3A_17 = arith.addi %mul3A_4, %add3A_16 : i32
    %run_scoped3A_18 = arith.constant 0 : i32
    "tpu.region"() ({
      %run_scoped3A_81 = tpu.sem_alloc : memref<!tpu.dma_semaphore, #tpu.memory_space<semaphore_mem>>
      %dma_start3A_82 = arith.constant 0 : i32
      %dma_start3A_83 = arith.constant 0 : i32
      %dma_start3A_84 = tpu.memref_slice %arg13[%run_scoped3A_18, %dma_start3A_82, %dma_start3A_83] : memref<2x128x128xf32, #tpu.memory_space<vmem>> -> memref<1x128x128xf32, #tpu.memory_space<vmem>>
      %dma_start3A_85 = tpu.memref_squeeze %dma_start3A_84 : memref<1x128x128xf32, #tpu.memory_space<vmem>> -> memref<128x128xf32, #tpu.memory_space<vmem>>
      %dma_start3A_86 = arith.constant 0 : i32
      %dma_start3A_87 = tpu.memref_slice %arg17[%add3A_17, %dma_start3A_86] : memref<8192x128xf32, #tpu.memory_space<vmem_shared>> -> memref<128x128xf32, #tpu.memory_space<vmem_shared>>
      %dma_start3A_88 = arith.constant 0 : i32
      %dma_start3A_89 = tpu.memref_slice %arg17[%add3A_17, %dma_start3A_88] : memref<8192x128xf32, #tpu.memory_space<vmem_shared>> -> memref<128x128xf32, #tpu.memory_space<vmem_shared>>
      %dma_start3A_90 = arith.constant 0 : i32
      %dma_start3A_91 = arith.constant 0 : i32
      %dma_start3A_92 = tpu.memref_slice %arg13[%run_scoped3A_18, %dma_start3A_90, %dma_start3A_91] : memref<2x128x128xf32, #tpu.memory_space<vmem>> -> memref<1x128x128xf32, #tpu.memory_space<vmem>>
      %dma_start3A_93 = tpu.memref_squeeze %dma_start3A_92 : memref<1x128x128xf32, #tpu.memory_space<vmem>> -> memref<128x128xf32, #tpu.memory_space<vmem>>
      tpu.enqueue_dma source(%dma_start3A_93 : memref<128x128xf32, #tpu.memory_space<vmem>>) target(%dma_start3A_89 : memref<128x128xf32, #tpu.memory_space<vmem_shared>>) target_semaphore(%run_scoped3A_81 : memref<!tpu.dma_semaphore, #tpu.memory_space<semaphore_mem>>)
      %dma_wait3A = arith.constant 0 : i32
      %dma_wait3A_94 = arith.constant 0 : i32
      %dma_wait3A_95 = tpu.memref_slice %arg13[%run_scoped3A_18, %dma_wait3A, %dma_wait3A_94] : memref<2x128x128xf32, #tpu.memory_space<vmem>> -> memref<1x128x128xf32, #tpu.memory_space<vmem>>
      %dma_wait3A_96 = tpu.memref_squeeze %dma_wait3A_95 : memref<1x128x128xf32, #tpu.memory_space<vmem>> -> memref<128x128xf32, #tpu.memory_space<vmem>>
      %dma_wait3A_97 = arith.constant 0 : i32
      %dma_wait3A_98 = tpu.memref_slice %arg17[%add3A_17, %dma_wait3A_97] : memref<8192x128xf32, #tpu.memory_space<vmem_shared>> -> memref<128x128xf32, #tpu.memory_space<vmem_shared>>
      %dma_wait3A_99 = arith.constant 0 : i32
      %dma_wait3A_100 = tpu.memref_slice %arg17[%add3A_17, %dma_wait3A_99] : memref<8192x128xf32, #tpu.memory_space<vmem_shared>> -> memref<128x128xf32, #tpu.memory_space<vmem_shared>>
      %dma_wait3A_101 = arith.constant 0 : i32
      %dma_wait3A_102 = arith.constant 0 : i32
      %dma_wait3A_103 = tpu.memref_slice %arg13[%run_scoped3A_18, %dma_wait3A_101, %dma_wait3A_102] : memref<2x128x128xf32, #tpu.memory_space<vmem>> -> memref<1x128x128xf32, #tpu.memory_space<vmem>>
      %dma_wait3A_104 = tpu.memref_squeeze %dma_wait3A_103 : memref<1x128x128xf32, #tpu.memory_space<vmem>> -> memref<128x128xf32, #tpu.memory_space<vmem>>
      tpu.wait_dma2 semaphore(%run_scoped3A_81 : memref<!tpu.dma_semaphore, #tpu.memory_space<semaphore_mem>>) src(%dma_wait3A_104 : memref<128x128xf32, #tpu.memory_space<vmem>>) dst(%dma_wait3A_100 : memref<128x128xf32, #tpu.memory_space<vmem_shared>>)
      tpu.yield
    }) : () -> ()
    %add3A_19 = arith.constant 384 : i32
    %add3A_20 = arith.addi %mul3A_4, %add3A_19 : i32
    %run_scoped3A_21 = arith.constant 0 : i32
    "tpu.region"() ({
      %run_scoped3A_81 = tpu.sem_alloc : memref<!tpu.dma_semaphore, #tpu.memory_space<semaphore_mem>>
      %dma_start3A_82 = arith.constant 0 : i32
      %dma_start3A_83 = arith.constant 0 : i32
      %dma_start3A_84 = tpu.memref_slice %arg13[%run_scoped3A_21, %dma_start3A_82, %dma_start3A_83] : memref<2x128x128xf32, #tpu.memory_space<vmem>> -> memref<1x128x128xf32, #tpu.memory_space<vmem>>
      %dma_start3A_85 = tpu.memref_squeeze %dma_start3A_84 : memref<1x128x128xf32, #tpu.memory_space<vmem>> -> memref<128x128xf32, #tpu.memory_space<vmem>>
      %dma_start3A_86 = arith.constant 0 : i32
      %dma_start3A_87 = tpu.memref_slice %arg17[%add3A_20, %dma_start3A_86] : memref<8192x128xf32, #tpu.memory_space<vmem_shared>> -> memref<128x128xf32, #tpu.memory_space<vmem_shared>>
      %dma_start3A_88 = arith.constant 0 : i32
      %dma_start3A_89 = tpu.memref_slice %arg17[%add3A_20, %dma_start3A_88] : memref<8192x128xf32, #tpu.memory_space<vmem_shared>> -> memref<128x128xf32, #tpu.memory_space<vmem_shared>>
      %dma_start3A_90 = arith.constant 0 : i32
      %dma_start3A_91 = arith.constant 0 : i32
      %dma_start3A_92 = tpu.memref_slice %arg13[%run_scoped3A_21, %dma_start3A_90, %dma_start3A_91] : memref<2x128x128xf32, #tpu.memory_space<vmem>> -> memref<1x128x128xf32, #tpu.memory_space<vmem>>
      %dma_start3A_93 = tpu.memref_squeeze %dma_start3A_92 : memref<1x128x128xf32, #tpu.memory_space<vmem>> -> memref<128x128xf32, #tpu.memory_space<vmem>>
      tpu.enqueue_dma source(%dma_start3A_93 : memref<128x128xf32, #tpu.memory_space<vmem>>) target(%dma_start3A_89 : memref<128x128xf32, #tpu.memory_space<vmem_shared>>) target_semaphore(%run_scoped3A_81 : memref<!tpu.dma_semaphore, #tpu.memory_space<semaphore_mem>>)
      %dma_wait3A = arith.constant 0 : i32
      %dma_wait3A_94 = arith.constant 0 : i32
      %dma_wait3A_95 = tpu.memref_slice %arg13[%run_scoped3A_21, %dma_wait3A, %dma_wait3A_94] : memref<2x128x128xf32, #tpu.memory_space<vmem>> -> memref<1x128x128xf32, #tpu.memory_space<vmem>>
      %dma_wait3A_96 = tpu.memref_squeeze %dma_wait3A_95 : memref<1x128x128xf32, #tpu.memory_space<vmem>> -> memref<128x128xf32, #tpu.memory_space<vmem>>
      %dma_wait3A_97 = arith.constant 0 : i32
      %dma_wait3A_98 = tpu.memref_slice %arg17[%add3A_20, %dma_wait3A_97] : memref<8192x128xf32, #tpu.memory_space<vmem_shared>> -> memref<128x128xf32, #tpu.memory_space<vmem_shared>>
      %dma_wait3A_99 = arith.constant 0 : i32
      %dma_wait3A_100 = tpu.memref_slice %arg17[%add3A_20, %dma_wait3A_99] : memref<8192x128xf32, #tpu.memory_space<vmem_shared>> -> memref<128x128xf32, #tpu.memory_space<vmem_shared>>
      %dma_wait3A_101 = arith.constant 0 : i32
      %dma_wait3A_102 = arith.constant 0 : i32
      %dma_wait3A_103 = tpu.memref_slice %arg13[%run_scoped3A_21, %dma_wait3A_101, %dma_wait3A_102] : memref<2x128x128xf32, #tpu.memory_space<vmem>> -> memref<1x128x128xf32, #tpu.memory_space<vmem>>
      %dma_wait3A_104 = tpu.memref_squeeze %dma_wait3A_103 : memref<1x128x128xf32, #tpu.memory_space<vmem>> -> memref<128x128xf32, #tpu.memory_space<vmem>>
      tpu.wait_dma2 semaphore(%run_scoped3A_81 : memref<!tpu.dma_semaphore, #tpu.memory_space<semaphore_mem>>) src(%dma_wait3A_104 : memref<128x128xf32, #tpu.memory_space<vmem>>) dst(%dma_wait3A_100 : memref<128x128xf32, #tpu.memory_space<vmem_shared>>)
      tpu.yield
    }) : () -> ()
    %dma_start3A = arith.constant 0 : i32
    %dma_start3A_22 = arith.constant 0 : i32
    %dma_start3A_23 = arith.constant 0 : i32
    %dma_start3A_24 = arith.constant 0 : i32
    %dma_start3A_25 = arith.constant 0 : i32
    %dma_start3A_26 = tpu.memref_slice %arg13[%dma_start3A_22, %dma_start3A_24, %dma_start3A_25] : memref<2x128x128xf32, #tpu.memory_space<vmem>> -> memref<1x128x128xf32, #tpu.memory_space<vmem>>
    %dma_start3A_27 = tpu.memref_squeeze %dma_start3A_26 : memref<1x128x128xf32, #tpu.memory_space<vmem>> -> memref<128x128xf32, #tpu.memory_space<vmem>>
    %dma_start3A_28 = arith.constant 0 : i32
    %dma_start3A_29 = tpu.memref_slice %arg12[%dma_start3A, %dma_start3A_28] : memref<80x128xi32, #tpu.memory_space<vmem>> -> memref<1x128xi32, #tpu.memory_space<vmem>>
    %dma_start3A_30 = tpu.memref_squeeze %dma_start3A_29 : memref<1x128xi32, #tpu.memory_space<vmem>> -> memref<128xi32, #tpu.memory_space<vmem>>
    %dma_start3A_31 = arith.constant 0 : i32
    %dma_start3A_32 = arith.constant 0 : i32
    %dma_start3A_33 = tpu.memref_slice %arg6[%dma_start3A_31, %dma_start3A_32] : memref<100000x128xf32, #tpu.memory_space<hbm>> -> memref<100000x128xf32, #tpu.memory_space<hbm>>
    %dma_start3A_34 = tpu.memref_slice %arg19[%dma_start3A_23] : memref<2x!tpu.dma_semaphore, #tpu.memory_space<semaphore_mem>> -> memref<1x!tpu.dma_semaphore, #tpu.memory_space<semaphore_mem>>
    %dma_start3A_35 = tpu.memref_squeeze %dma_start3A_34 : memref<1x!tpu.dma_semaphore, #tpu.memory_space<semaphore_mem>> -> memref<!tpu.dma_semaphore, #tpu.memory_space<semaphore_mem>>
    tpu.enqueue_indirect_dma source(%dma_start3A_33 : memref<100000x128xf32, #tpu.memory_space<hbm>>) target(%dma_start3A_27 : memref<128x128xf32, #tpu.memory_space<vmem>>) offsets(%dma_start3A_30 : memref<128xi32, #tpu.memory_space<vmem>>) semaphore(%dma_start3A_35 : memref<!tpu.dma_semaphore, #tpu.memory_space<semaphore_mem>>)
    %dma_start3A_36 = arith.constant 1 : i32
    %dma_start3A_37 = arith.constant 1 : i32
    %dma_start3A_38 = arith.constant 1 : i32
    %dma_start3A_39 = arith.constant 0 : i32
    %dma_start3A_40 = arith.constant 0 : i32
    %dma_start3A_41 = tpu.memref_slice %arg13[%dma_start3A_37, %dma_start3A_39, %dma_start3A_40] : memref<2x128x128xf32, #tpu.memory_space<vmem>> -> memref<1x128x128xf32, #tpu.memory_space<vmem>>
    %dma_start3A_42 = tpu.memref_squeeze %dma_start3A_41 : memref<1x128x128xf32, #tpu.memory_space<vmem>> -> memref<128x128xf32, #tpu.memory_space<vmem>>
    %dma_start3A_43 = arith.constant 0 : i32
    %dma_start3A_44 = tpu.memref_slice %arg12[%dma_start3A_36, %dma_start3A_43] : memref<80x128xi32, #tpu.memory_space<vmem>> -> memref<1x128xi32, #tpu.memory_space<vmem>>
    %dma_start3A_45 = tpu.memref_squeeze %dma_start3A_44 : memref<1x128xi32, #tpu.memory_space<vmem>> -> memref<128xi32, #tpu.memory_space<vmem>>
    %dma_start3A_46 = arith.constant 0 : i32
    %dma_start3A_47 = arith.constant 0 : i32
    %dma_start3A_48 = tpu.memref_slice %arg6[%dma_start3A_46, %dma_start3A_47] : memref<100000x128xf32, #tpu.memory_space<hbm>> -> memref<100000x128xf32, #tpu.memory_space<hbm>>
    %dma_start3A_49 = tpu.memref_slice %arg19[%dma_start3A_38] : memref<2x!tpu.dma_semaphore, #tpu.memory_space<semaphore_mem>> -> memref<1x!tpu.dma_semaphore, #tpu.memory_space<semaphore_mem>>
    %dma_start3A_50 = tpu.memref_squeeze %dma_start3A_49 : memref<1x!tpu.dma_semaphore, #tpu.memory_space<semaphore_mem>> -> memref<!tpu.dma_semaphore, #tpu.memory_space<semaphore_mem>>
    tpu.enqueue_indirect_dma source(%dma_start3A_48 : memref<100000x128xf32, #tpu.memory_space<hbm>>) target(%dma_start3A_42 : memref<128x128xf32, #tpu.memory_space<vmem>>) offsets(%dma_start3A_45 : memref<128xi32, #tpu.memory_space<vmem>>) semaphore(%dma_start3A_50 : memref<!tpu.dma_semaphore, #tpu.memory_space<semaphore_mem>>)
    %scan3A_51 = arith.constant 0 : i32
    %scan3A_52 = arith.constant 0 : i32
    %scan3A_53 = arith.constant 80 : i32
    %scan3A_54 = arith.addi %scan3A_52, %scan3A_53 : i32
    %scan3A_55 = arith.constant 1 : i32
    %scan3A_56 = scf.for %scan3A_81 = %scan3A_52 to %scan3A_54 step %scan3A_55 iter_args(%scan3A_82 = %scan3A_51) -> (i32)  : i32 {
      %jit3A = arith.constant 2 : i32
      %eq3A = arith.constant 0 : i32
      %eq3A_83 = arith.cmpi eq, %jit3A, %eq3A : i32
      %jit3A_84 = arith.constant 1 : i32
      %select_n3A = arith.select %eq3A_83, %jit3A_84, %jit3A : i32
      %rem3A = arith.remsi %scan3A_81, %select_n3A : i32
      %ne3A = arith.constant 0 : i32
      %ne3A_85 = arith.cmpi ne, %rem3A, %ne3A : i32
      %lt3A = arith.constant 0 : i32
      %lt3A_86 = arith.cmpi slt, %rem3A, %lt3A : i32
      %lt3A_87 = arith.constant 0 : i32
      %lt3A_88 = arith.cmpi slt, %select_n3A, %lt3A_87 : i32
      %ne3A_89 = arith.xori %lt3A_86, %lt3A_88 : i1
      %and3A = arith.andi %ne3A_89, %ne3A_85 : i1
      %add3A_90 = arith.addi %rem3A, %select_n3A : i32
      %select_n3A_91 = arith.select %and3A, %add3A_90, %rem3A : i32
      %eq3A_92 = arith.constant 0 : i32
      %eq3A_93 = arith.cmpi eq, %select_n3A_91, %eq3A_92 : i32
      %convert_element_type3A = arith.extui %eq3A_93 : i1 to i32
      %cond3A = arith.constant 0 : i32
      %cond3A_94 = arith.cmpi ne, %convert_element_type3A, %cond3A : i32
      scf.if %cond3A_94 {
        %dma_wait3A = arith.constant 0 : i32
        %dma_wait3A_117 = arith.constant 0 : i32
        %dma_wait3A_118 = arith.constant 0 : i32
        %dma_wait3A_119 = arith.constant 0 : i32
        %dma_wait3A_120 = arith.constant 0 : i32
        %dma_wait3A_121 = tpu.memref_slice %arg13[%dma_wait3A_117, %dma_wait3A_119, %dma_wait3A_120] : memref<2x128x128xf32, #tpu.memory_space<vmem>> -> memref<1x128x128xf32, #tpu.memory_space<vmem>>
        %dma_wait3A_122 = tpu.memref_squeeze %dma_wait3A_121 : memref<1x128x128xf32, #tpu.memory_space<vmem>> -> memref<128x128xf32, #tpu.memory_space<vmem>>
        %dma_wait3A_123 = arith.constant 0 : i32
        %dma_wait3A_124 = tpu.memref_slice %arg12[%dma_wait3A, %dma_wait3A_123] : memref<80x128xi32, #tpu.memory_space<vmem>> -> memref<1x128xi32, #tpu.memory_space<vmem>>
        %dma_wait3A_125 = tpu.memref_squeeze %dma_wait3A_124 : memref<1x128xi32, #tpu.memory_space<vmem>> -> memref<128xi32, #tpu.memory_space<vmem>>
        %dma_wait3A_126 = arith.constant 0 : i32
        %dma_wait3A_127 = arith.constant 0 : i32
        %dma_wait3A_128 = tpu.memref_slice %arg6[%dma_wait3A_126, %dma_wait3A_127] : memref<100000x128xf32, #tpu.memory_space<hbm>> -> memref<100000x128xf32, #tpu.memory_space<hbm>>
        %dma_wait3A_129 = tpu.memref_slice %arg19[%dma_wait3A_118] : memref<2x!tpu.dma_semaphore, #tpu.memory_space<semaphore_mem>> -> memref<1x!tpu.dma_semaphore, #tpu.memory_space<semaphore_mem>>
        %dma_wait3A_130 = tpu.memref_squeeze %dma_wait3A_129 : memref<1x!tpu.dma_semaphore, #tpu.memory_space<semaphore_mem>> -> memref<!tpu.dma_semaphore, #tpu.memory_space<semaphore_mem>>
        tpu.wait_indirect_dma semaphore(%dma_wait3A_130 : memref<!tpu.dma_semaphore, #tpu.memory_space<semaphore_mem>>) src(%dma_wait3A_128 : memref<100000x128xf32, #tpu.memory_space<hbm>>) dst(%dma_wait3A_122 : memref<128x128xf32, #tpu.memory_space<vmem>>)
        %run_scoped3A_131 = arith.constant 0 : i32
        "tpu.region"() ({
          %run_scoped3A_139 = tpu.sem_alloc : memref<!tpu.dma_semaphore, #tpu.memory_space<semaphore_mem>>
          %dma_start3A_140 = arith.constant 0 : i32
          %dma_start3A_141 = arith.constant 0 : i32
          %dma_start3A_142 = tpu.memref_slice %arg13[%run_scoped3A_131, %dma_start3A_140, %dma_start3A_141] : memref<2x128x128xf32, #tpu.memory_space<vmem>> -> memref<1x128x128xf32, #tpu.memory_space<vmem>>
          %dma_start3A_143 = tpu.memref_squeeze %dma_start3A_142 : memref<1x128x128xf32, #tpu.memory_space<vmem>> -> memref<128x128xf32, #tpu.memory_space<vmem>>
          %dma_start3A_144 = arith.constant 0 : i32
          %dma_start3A_145 = tpu.memref_slice %arg14[%scan3A_81, %dma_start3A_144] : memref<80x128xi32, #tpu.memory_space<vmem>> -> memref<1x128xi32, #tpu.memory_space<vmem>>
          %dma_start3A_146 = tpu.memref_squeeze %dma_start3A_145 : memref<1x128xi32, #tpu.memory_space<vmem>> -> memref<128xi32, #tpu.memory_space<vmem>>
          %dma_start3A_147 = arith.constant 0 : i32
          %dma_start3A_148 = arith.constant 0 : i32
          %dma_start3A_149 = tpu.memref_slice %arg17[%dma_start3A_147, %dma_start3A_148] : memref<8192x128xf32, #tpu.memory_space<vmem_shared>> -> memref<8192x128xf32, #tpu.memory_space<vmem_shared>>
          tpu.enqueue_indirect_dma source(%dma_start3A_143 : memref<128x128xf32, #tpu.memory_space<vmem>>) target(%dma_start3A_149 : memref<8192x128xf32, #tpu.memory_space<vmem_shared>>) offsets(%dma_start3A_146 : memref<128xi32, #tpu.memory_space<vmem>>) semaphore(%run_scoped3A_139 : memref<!tpu.dma_semaphore, #tpu.memory_space<semaphore_mem>>) {add = true}
          %dma_wait3A_150 = arith.constant 0 : i32
          %dma_wait3A_151 = arith.constant 0 : i32
          %dma_wait3A_152 = tpu.memref_slice %arg13[%run_scoped3A_131, %dma_wait3A_150, %dma_wait3A_151] : memref<2x128x128xf32, #tpu.memory_space<vmem>> -> memref<1x128x128xf32, #tpu.memory_space<vmem>>
          %dma_wait3A_153 = tpu.memref_squeeze %dma_wait3A_152 : memref<1x128x128xf32, #tpu.memory_space<vmem>> -> memref<128x128xf32, #tpu.memory_space<vmem>>
          %dma_wait3A_154 = arith.constant 0 : i32
          %dma_wait3A_155 = tpu.memref_slice %arg14[%scan3A_81, %dma_wait3A_154] : memref<80x128xi32, #tpu.memory_space<vmem>> -> memref<1x128xi32, #tpu.memory_space<vmem>>
          %dma_wait3A_156 = tpu.memref_squeeze %dma_wait3A_155 : memref<1x128xi32, #tpu.memory_space<vmem>> -> memref<128xi32, #tpu.memory_space<vmem>>
          %dma_wait3A_157 = arith.constant 0 : i32
          %dma_wait3A_158 = arith.constant 0 : i32
          %dma_wait3A_159 = tpu.memref_slice %arg17[%dma_wait3A_157, %dma_wait3A_158] : memref<8192x128xf32, #tpu.memory_space<vmem_shared>> -> memref<8192x128xf32, #tpu.memory_space<vmem_shared>>
          tpu.wait_indirect_dma semaphore(%run_scoped3A_139 : memref<!tpu.dma_semaphore, #tpu.memory_space<semaphore_mem>>) src(%dma_wait3A_153 : memref<128x128xf32, #tpu.memory_space<vmem>>) dst(%dma_wait3A_159 : memref<8192x128xf32, #tpu.memory_space<vmem_shared>>)
          tpu.yield
        }) : () -> ()
        %add3A_132 = arith.constant 2 : i32
        %add3A_133 = arith.addi %scan3A_81, %add3A_132 : i32
        %lt3A_134 = arith.constant 80 : i32
        %lt3A_135 = arith.cmpi slt, %add3A_133, %lt3A_134 : i32
        %convert_element_type3A_136 = arith.extui %lt3A_135 : i1 to i32
        %cond3A_137 = arith.constant 0 : i32
        %cond3A_138 = arith.cmpi ne, %convert_element_type3A_136, %cond3A_137 : i32
        scf.if %cond3A_138 {
          %dma_start3A_139 = arith.constant 0 : i32
          %dma_start3A_140 = arith.constant 0 : i32
          %dma_start3A_141 = arith.constant 0 : i32
          %dma_start3A_142 = arith.constant 0 : i32
          %dma_start3A_143 = tpu.memref_slice %arg13[%dma_start3A_139, %dma_start3A_141, %dma_start3A_142] : memref<2x128x128xf32, #tpu.memory_space<vmem>> -> memref<1x128x128xf32, #tpu.memory_space<vmem>>
          %dma_start3A_144 = tpu.memref_squeeze %dma_start3A_143 : memref<1x128x128xf32, #tpu.memory_space<vmem>> -> memref<128x128xf32, #tpu.memory_space<vmem>>
          %dma_start3A_145 = arith.constant 0 : i32
          %dma_start3A_146 = tpu.memref_slice %arg12[%add3A_133, %dma_start3A_145] : memref<80x128xi32, #tpu.memory_space<vmem>> -> memref<1x128xi32, #tpu.memory_space<vmem>>
          %dma_start3A_147 = tpu.memref_squeeze %dma_start3A_146 : memref<1x128xi32, #tpu.memory_space<vmem>> -> memref<128xi32, #tpu.memory_space<vmem>>
          %dma_start3A_148 = arith.constant 0 : i32
          %dma_start3A_149 = arith.constant 0 : i32
          %dma_start3A_150 = tpu.memref_slice %arg6[%dma_start3A_148, %dma_start3A_149] : memref<100000x128xf32, #tpu.memory_space<hbm>> -> memref<100000x128xf32, #tpu.memory_space<hbm>>
          %dma_start3A_151 = tpu.memref_slice %arg19[%dma_start3A_140] : memref<2x!tpu.dma_semaphore, #tpu.memory_space<semaphore_mem>> -> memref<1x!tpu.dma_semaphore, #tpu.memory_space<semaphore_mem>>
          %dma_start3A_152 = tpu.memref_squeeze %dma_start3A_151 : memref<1x!tpu.dma_semaphore, #tpu.memory_space<semaphore_mem>> -> memref<!tpu.dma_semaphore, #tpu.memory_space<semaphore_mem>>
          tpu.enqueue_indirect_dma source(%dma_start3A_150 : memref<100000x128xf32, #tpu.memory_space<hbm>>) target(%dma_start3A_144 : memref<128x128xf32, #tpu.memory_space<vmem>>) offsets(%dma_start3A_147 : memref<128xi32, #tpu.memory_space<vmem>>) semaphore(%dma_start3A_152 : memref<!tpu.dma_semaphore, #tpu.memory_space<semaphore_mem>>)
        } else {
        }
      } else {
      }
      %jit3A_95 = arith.constant 2 : i32
      %eq3A_96 = arith.constant 0 : i32
      %eq3A_97 = arith.cmpi eq, %jit3A_95, %eq3A_96 : i32
      %jit3A_98 = arith.constant 1 : i32
      %select_n3A_99 = arith.select %eq3A_97, %jit3A_98, %jit3A_95 : i32
      %rem3A_100 = arith.remsi %scan3A_81, %select_n3A_99 : i32
      %ne3A_101 = arith.constant 0 : i32
      %ne3A_102 = arith.cmpi ne, %rem3A_100, %ne3A_101 : i32
      %lt3A_103 = arith.constant 0 : i32
      %lt3A_104 = arith.cmpi slt, %rem3A_100, %lt3A_103 : i32
      %lt3A_105 = arith.constant 0 : i32
      %lt3A_106 = arith.cmpi slt, %select_n3A_99, %lt3A_105 : i32
      %ne3A_107 = arith.xori %lt3A_104, %lt3A_106 : i1
      %and3A_108 = arith.andi %ne3A_107, %ne3A_102 : i1
      %add3A_109 = arith.addi %rem3A_100, %select_n3A_99 : i32
      %select_n3A_110 = arith.select %and3A_108, %add3A_109, %rem3A_100 : i32
      %eq3A_111 = arith.constant 1 : i32
      %eq3A_112 = arith.cmpi eq, %select_n3A_110, %eq3A_111 : i32
      %convert_element_type3A_113 = arith.extui %eq3A_112 : i1 to i32
      %cond3A_114 = arith.constant 0 : i32
      %cond3A_115 = arith.cmpi ne, %convert_element_type3A_113, %cond3A_114 : i32
      scf.if %cond3A_115 {
        %dma_wait3A = arith.constant 0 : i32
        %dma_wait3A_117 = arith.constant 1 : i32
        %dma_wait3A_118 = arith.constant 1 : i32
        %dma_wait3A_119 = arith.constant 0 : i32
        %dma_wait3A_120 = arith.constant 0 : i32
        %dma_wait3A_121 = tpu.memref_slice %arg13[%dma_wait3A_117, %dma_wait3A_119, %dma_wait3A_120] : memref<2x128x128xf32, #tpu.memory_space<vmem>> -> memref<1x128x128xf32, #tpu.memory_space<vmem>>
        %dma_wait3A_122 = tpu.memref_squeeze %dma_wait3A_121 : memref<1x128x128xf32, #tpu.memory_space<vmem>> -> memref<128x128xf32, #tpu.memory_space<vmem>>
        %dma_wait3A_123 = arith.constant 0 : i32
        %dma_wait3A_124 = tpu.memref_slice %arg12[%dma_wait3A, %dma_wait3A_123] : memref<80x128xi32, #tpu.memory_space<vmem>> -> memref<1x128xi32, #tpu.memory_space<vmem>>
        %dma_wait3A_125 = tpu.memref_squeeze %dma_wait3A_124 : memref<1x128xi32, #tpu.memory_space<vmem>> -> memref<128xi32, #tpu.memory_space<vmem>>
        %dma_wait3A_126 = arith.constant 0 : i32
        %dma_wait3A_127 = arith.constant 0 : i32
        %dma_wait3A_128 = tpu.memref_slice %arg6[%dma_wait3A_126, %dma_wait3A_127] : memref<100000x128xf32, #tpu.memory_space<hbm>> -> memref<100000x128xf32, #tpu.memory_space<hbm>>
        %dma_wait3A_129 = tpu.memref_slice %arg19[%dma_wait3A_118] : memref<2x!tpu.dma_semaphore, #tpu.memory_space<semaphore_mem>> -> memref<1x!tpu.dma_semaphore, #tpu.memory_space<semaphore_mem>>
        %dma_wait3A_130 = tpu.memref_squeeze %dma_wait3A_129 : memref<1x!tpu.dma_semaphore, #tpu.memory_space<semaphore_mem>> -> memref<!tpu.dma_semaphore, #tpu.memory_space<semaphore_mem>>
        tpu.wait_indirect_dma semaphore(%dma_wait3A_130 : memref<!tpu.dma_semaphore, #tpu.memory_space<semaphore_mem>>) src(%dma_wait3A_128 : memref<100000x128xf32, #tpu.memory_space<hbm>>) dst(%dma_wait3A_122 : memref<128x128xf32, #tpu.memory_space<vmem>>)
        %run_scoped3A_131 = arith.constant 1 : i32
        "tpu.region"() ({
          %run_scoped3A_139 = tpu.sem_alloc : memref<!tpu.dma_semaphore, #tpu.memory_space<semaphore_mem>>
          %dma_start3A_140 = arith.constant 0 : i32
          %dma_start3A_141 = arith.constant 0 : i32
          %dma_start3A_142 = tpu.memref_slice %arg13[%run_scoped3A_131, %dma_start3A_140, %dma_start3A_141] : memref<2x128x128xf32, #tpu.memory_space<vmem>> -> memref<1x128x128xf32, #tpu.memory_space<vmem>>
          %dma_start3A_143 = tpu.memref_squeeze %dma_start3A_142 : memref<1x128x128xf32, #tpu.memory_space<vmem>> -> memref<128x128xf32, #tpu.memory_space<vmem>>
          %dma_start3A_144 = arith.constant 0 : i32
          %dma_start3A_145 = tpu.memref_slice %arg14[%scan3A_81, %dma_start3A_144] : memref<80x128xi32, #tpu.memory_space<vmem>> -> memref<1x128xi32, #tpu.memory_space<vmem>>
          %dma_start3A_146 = tpu.memref_squeeze %dma_start3A_145 : memref<1x128xi32, #tpu.memory_space<vmem>> -> memref<128xi32, #tpu.memory_space<vmem>>
          %dma_start3A_147 = arith.constant 0 : i32
          %dma_start3A_148 = arith.constant 0 : i32
          %dma_start3A_149 = tpu.memref_slice %arg17[%dma_start3A_147, %dma_start3A_148] : memref<8192x128xf32, #tpu.memory_space<vmem_shared>> -> memref<8192x128xf32, #tpu.memory_space<vmem_shared>>
          tpu.enqueue_indirect_dma source(%dma_start3A_143 : memref<128x128xf32, #tpu.memory_space<vmem>>) target(%dma_start3A_149 : memref<8192x128xf32, #tpu.memory_space<vmem_shared>>) offsets(%dma_start3A_146 : memref<128xi32, #tpu.memory_space<vmem>>) semaphore(%run_scoped3A_139 : memref<!tpu.dma_semaphore, #tpu.memory_space<semaphore_mem>>) {add = true}
          %dma_wait3A_150 = arith.constant 0 : i32
          %dma_wait3A_151 = arith.constant 0 : i32
          %dma_wait3A_152 = tpu.memref_slice %arg13[%run_scoped3A_131, %dma_wait3A_150, %dma_wait3A_151] : memref<2x128x128xf32, #tpu.memory_space<vmem>> -> memref<1x128x128xf32, #tpu.memory_space<vmem>>
          %dma_wait3A_153 = tpu.memref_squeeze %dma_wait3A_152 : memref<1x128x128xf32, #tpu.memory_space<vmem>> -> memref<128x128xf32, #tpu.memory_space<vmem>>
          %dma_wait3A_154 = arith.constant 0 : i32
          %dma_wait3A_155 = tpu.memref_slice %arg14[%scan3A_81, %dma_wait3A_154] : memref<80x128xi32, #tpu.memory_space<vmem>> -> memref<1x128xi32, #tpu.memory_space<vmem>>
          %dma_wait3A_156 = tpu.memref_squeeze %dma_wait3A_155 : memref<1x128xi32, #tpu.memory_space<vmem>> -> memref<128xi32, #tpu.memory_space<vmem>>
          %dma_wait3A_157 = arith.constant 0 : i32
          %dma_wait3A_158 = arith.constant 0 : i32
          %dma_wait3A_159 = tpu.memref_slice %arg17[%dma_wait3A_157, %dma_wait3A_158] : memref<8192x128xf32, #tpu.memory_space<vmem_shared>> -> memref<8192x128xf32, #tpu.memory_space<vmem_shared>>
          tpu.wait_indirect_dma semaphore(%run_scoped3A_139 : memref<!tpu.dma_semaphore, #tpu.memory_space<semaphore_mem>>) src(%dma_wait3A_153 : memref<128x128xf32, #tpu.memory_space<vmem>>) dst(%dma_wait3A_159 : memref<8192x128xf32, #tpu.memory_space<vmem_shared>>)
          tpu.yield
        }) : () -> ()
        %add3A_132 = arith.constant 2 : i32
        %add3A_133 = arith.addi %scan3A_81, %add3A_132 : i32
        %lt3A_134 = arith.constant 80 : i32
        %lt3A_135 = arith.cmpi slt, %add3A_133, %lt3A_134 : i32
        %convert_element_type3A_136 = arith.extui %lt3A_135 : i1 to i32
        %cond3A_137 = arith.constant 0 : i32
        %cond3A_138 = arith.cmpi ne, %convert_element_type3A_136, %cond3A_137 : i32
        scf.if %cond3A_138 {
          %dma_start3A_139 = arith.constant 1 : i32
          %dma_start3A_140 = arith.constant 1 : i32
          %dma_start3A_141 = arith.constant 0 : i32
          %dma_start3A_142 = arith.constant 0 : i32
          %dma_start3A_143 = tpu.memref_slice %arg13[%dma_start3A_139, %dma_start3A_141, %dma_start3A_142] : memref<2x128x128xf32, #tpu.memory_space<vmem>> -> memref<1x128x128xf32, #tpu.memory_space<vmem>>
          %dma_start3A_144 = tpu.memref_squeeze %dma_start3A_143 : memref<1x128x128xf32, #tpu.memory_space<vmem>> -> memref<128x128xf32, #tpu.memory_space<vmem>>
          %dma_start3A_145 = arith.constant 0 : i32
          %dma_start3A_146 = tpu.memref_slice %arg12[%add3A_133, %dma_start3A_145] : memref<80x128xi32, #tpu.memory_space<vmem>> -> memref<1x128xi32, #tpu.memory_space<vmem>>
          %dma_start3A_147 = tpu.memref_squeeze %dma_start3A_146 : memref<1x128xi32, #tpu.memory_space<vmem>> -> memref<128xi32, #tpu.memory_space<vmem>>
          %dma_start3A_148 = arith.constant 0 : i32
          %dma_start3A_149 = arith.constant 0 : i32
          %dma_start3A_150 = tpu.memref_slice %arg6[%dma_start3A_148, %dma_start3A_149] : memref<100000x128xf32, #tpu.memory_space<hbm>> -> memref<100000x128xf32, #tpu.memory_space<hbm>>
          %dma_start3A_151 = tpu.memref_slice %arg19[%dma_start3A_140] : memref<2x!tpu.dma_semaphore, #tpu.memory_space<semaphore_mem>> -> memref<1x!tpu.dma_semaphore, #tpu.memory_space<semaphore_mem>>
          %dma_start3A_152 = tpu.memref_squeeze %dma_start3A_151 : memref<1x!tpu.dma_semaphore, #tpu.memory_space<semaphore_mem>> -> memref<!tpu.dma_semaphore, #tpu.memory_space<semaphore_mem>>
          tpu.enqueue_indirect_dma source(%dma_start3A_150 : memref<100000x128xf32, #tpu.memory_space<hbm>>) target(%dma_start3A_144 : memref<128x128xf32, #tpu.memory_space<vmem>>) offsets(%dma_start3A_147 : memref<128xi32, #tpu.memory_space<vmem>>) semaphore(%dma_start3A_152 : memref<!tpu.dma_semaphore, #tpu.memory_space<semaphore_mem>>)
        } else {
        }
      } else {
      }
      %scan3A_116 = arith.constant 0 : i32
      scf.yield %scan3A_116 : i32
    }
    %scan3A_57 = arith.constant 80 : i32
    %scan3A_58 = arith.constant 0 : i32
    %scan3A_59 = arith.constant 0 : i32
    %scan3A_60 = arith.constant 128 : i32
    %scan3A_61 = arith.addi %scan3A_59, %scan3A_60 : i32
    %scan3A_62 = arith.constant 1 : i32
    %scan3A_63 = scf.for %scan3A_81 = %scan3A_59 to %scan3A_61 step %scan3A_62 iter_args(%scan3A_82 = %scan3A_58) -> (i32)  : i32 {
      %broadcast_in_dim3A = arith.constant 0.000000e+00 : f32
      %broadcast_in_dim3A_83 = vector.broadcast %broadcast_in_dim3A : f32 to vector<16xf32>
      %swap3A = arith.constant 0 : i32
      %swap3A_84 = arith.index_cast %swap3A : i32 to index
      %swap3A_85 = arith.index_cast %scan3A_81 : i32 to index
      %swap3A_86 = arith.constant 0 : index
      %swap3A_87 = tpu.vector_load %arg13[%swap3A_84, %swap3A_85, %swap3A_86] {strides = array<i32>} : memref<2x128x128xf32, #tpu.memory_space<vmem>>, vector<1x1x16xf32>,
      %swap3A_88 = vector.shape_cast %swap3A_87 : vector<1x1x16xf32> to vector<16xf32>
      %swap3A_89 = vector.shape_cast %broadcast_in_dim3A_83 : vector<16xf32> to vector<1x1x16xf32>
      tpu.vector_store %arg13[%swap3A_84, %swap3A_85, %swap3A_86], %swap3A_89 {strides = array<i32>} : memref<2x128x128xf32, #tpu.memory_space<vmem>>, vector<1x1x16xf32>,
      %broadcast_in_dim3A_90 = arith.constant 0.000000e+00 : f32
      %broadcast_in_dim3A_91 = vector.broadcast %broadcast_in_dim3A_90 : f32 to vector<16xf32>
      %swap3A_92 = arith.constant 0 : i32
      %swap3A_93 = arith.index_cast %swap3A_92 : i32 to index
      %swap3A_94 = arith.index_cast %scan3A_81 : i32 to index
      %swap3A_95 = arith.constant 16 : index
      %swap3A_96 = tpu.vector_load %arg13[%swap3A_93, %swap3A_94, %swap3A_95] {strides = array<i32>} : memref<2x128x128xf32, #tpu.memory_space<vmem>>, vector<1x1x16xf32>,
      %swap3A_97 = vector.shape_cast %swap3A_96 : vector<1x1x16xf32> to vector<16xf32>
      %swap3A_98 = vector.shape_cast %broadcast_in_dim3A_91 : vector<16xf32> to vector<1x1x16xf32>
      tpu.vector_store %arg13[%swap3A_93, %swap3A_94, %swap3A_95], %swap3A_98 {strides = array<i32>} : memref<2x128x128xf32, #tpu.memory_space<vmem>>, vector<1x1x16xf32>,
      %broadcast_in_dim3A_99 = arith.constant 0.000000e+00 : f32
      %broadcast_in_dim3A_100 = vector.broadcast %broadcast_in_dim3A_99 : f32 to vector<16xf32>
      %swap3A_101 = arith.constant 0 : i32
      %swap3A_102 = arith.index_cast %swap3A_101 : i32 to index
      %swap3A_103 = arith.index_cast %scan3A_81 : i32 to index
      %swap3A_104 = arith.constant 32 : index
      %swap3A_105 = tpu.vector_load %arg13[%swap3A_102, %swap3A_103, %swap3A_104] {strides = array<i32>} : memref<2x128x128xf32, #tpu.memory_space<vmem>>, vector<1x1x16xf32>,
      %swap3A_106 = vector.shape_cast %swap3A_105 : vector<1x1x16xf32> to vector<16xf32>
      %swap3A_107 = vector.shape_cast %broadcast_in_dim3A_100 : vector<16xf32> to vector<1x1x16xf32>
      tpu.vector_store %arg13[%swap3A_102, %swap3A_103, %swap3A_104], %swap3A_107 {strides = array<i32>} : memref<2x128x128xf32, #tpu.memory_space<vmem>>, vector<1x1x16xf32>,
      %broadcast_in_dim3A_108 = arith.constant 0.000000e+00 : f32
      %broadcast_in_dim3A_109 = vector.broadcast %broadcast_in_dim3A_108 : f32 to vector<16xf32>
      %swap3A_110 = arith.constant 0 : i32
      %swap3A_111 = arith.index_cast %swap3A_110 : i32 to index
      %swap3A_112 = arith.index_cast %scan3A_81 : i32 to index
      %swap3A_113 = arith.constant 48 : index
      %swap3A_114 = tpu.vector_load %arg13[%swap3A_111, %swap3A_112, %swap3A_113] {strides = array<i32>} : memref<2x128x128xf32, #tpu.memory_space<vmem>>, vector<1x1x16xf32>,
      %swap3A_115 = vector.shape_cast %swap3A_114 : vector<1x1x16xf32> to vector<16xf32>
      %swap3A_116 = vector.shape_cast %broadcast_in_dim3A_109 : vector<16xf32> to vector<1x1x16xf32>
      tpu.vector_store %arg13[%swap3A_111, %swap3A_112, %swap3A_113], %swap3A_116 {strides = array<i32>} : memref<2x128x128xf32, #tpu.memory_space<vmem>>, vector<1x1x16xf32>,
      %broadcast_in_dim3A_117 = arith.constant 0.000000e+00 : f32
      %broadcast_in_dim3A_118 = vector.broadcast %broadcast_in_dim3A_117 : f32 to vector<16xf32>
      %swap3A_119 = arith.constant 0 : i32
      %swap3A_120 = arith.index_cast %swap3A_119 : i32 to index
      %swap3A_121 = arith.index_cast %scan3A_81 : i32 to index
      %swap3A_122 = arith.constant 64 : index
      %swap3A_123 = tpu.vector_load %arg13[%swap3A_120, %swap3A_121, %swap3A_122] {strides = array<i32>} : memref<2x128x128xf32, #tpu.memory_space<vmem>>, vector<1x1x16xf32>,
      %swap3A_124 = vector.shape_cast %swap3A_123 : vector<1x1x16xf32> to vector<16xf32>
      %swap3A_125 = vector.shape_cast %broadcast_in_dim3A_118 : vector<16xf32> to vector<1x1x16xf32>
      tpu.vector_store %arg13[%swap3A_120, %swap3A_121, %swap3A_122], %swap3A_125 {strides = array<i32>} : memref<2x128x128xf32, #tpu.memory_space<vmem>>, vector<1x1x16xf32>,
      %broadcast_in_dim3A_126 = arith.constant 0.000000e+00 : f32
      %broadcast_in_dim3A_127 = vector.broadcast %broadcast_in_dim3A_126 : f32 to vector<16xf32>
      %swap3A_128 = arith.constant 0 : i32
      %swap3A_129 = arith.index_cast %swap3A_128 : i32 to index
      %swap3A_130 = arith.index_cast %scan3A_81 : i32 to index
      %swap3A_131 = arith.constant 80 : index
      %swap3A_132 = tpu.vector_load %arg13[%swap3A_129, %swap3A_130, %swap3A_131] {strides = array<i32>} : memref<2x128x128xf32, #tpu.memory_space<vmem>>, vector<1x1x16xf32>,
      %swap3A_133 = vector.shape_cast %swap3A_132 : vector<1x1x16xf32> to vector<16xf32>
      %swap3A_134 = vector.shape_cast %broadcast_in_dim3A_127 : vector<16xf32> to vector<1x1x16xf32>
      tpu.vector_store %arg13[%swap3A_129, %swap3A_130, %swap3A_131], %swap3A_134 {strides = array<i32>} : memref<2x128x128xf32, #tpu.memory_space<vmem>>, vector<1x1x16xf32>,
      %broadcast_in_dim3A_135 = arith.constant 0.000000e+00 : f32
      %broadcast_in_dim3A_136 = vector.broadcast %broadcast_in_dim3A_135 : f32 to vector<16xf32>
      %swap3A_137 = arith.constant 0 : i32
      %swap3A_138 = arith.index_cast %swap3A_137 : i32 to index
      %swap3A_139 = arith.index_cast %scan3A_81 : i32 to index
      %swap3A_140 = arith.constant 96 : index
      %swap3A_141 = tpu.vector_load %arg13[%swap3A_138, %swap3A_139, %swap3A_140] {strides = array<i32>} : memref<2x128x128xf32, #tpu.memory_space<vmem>>, vector<1x1x16xf32>,
      %swap3A_142 = vector.shape_cast %swap3A_141 : vector<1x1x16xf32> to vector<16xf32>
      %swap3A_143 = vector.shape_cast %broadcast_in_dim3A_136 : vector<16xf32> to vector<1x1x16xf32>
      tpu.vector_store %arg13[%swap3A_138, %swap3A_139, %swap3A_140], %swap3A_143 {strides = array<i32>} : memref<2x128x128xf32, #tpu.memory_space<vmem>>, vector<1x1x16xf32>,
      %broadcast_in_dim3A_144 = arith.constant 0.000000e+00 : f32
      %broadcast_in_dim3A_145 = vector.broadcast %broadcast_in_dim3A_144 : f32 to vector<16xf32>
      %swap3A_146 = arith.constant 0 : i32
      %swap3A_147 = arith.index_cast %swap3A_146 : i32 to index
      %swap3A_148 = arith.index_cast %scan3A_81 : i32 to index
      %swap3A_149 = arith.constant 112 : index
      %swap3A_150 = tpu.vector_load %arg13[%swap3A_147, %swap3A_148, %swap3A_149] {strides = array<i32>} : memref<2x128x128xf32, #tpu.memory_space<vmem>>, vector<1x1x16xf32>,
      %swap3A_151 = vector.shape_cast %swap3A_150 : vector<1x1x16xf32> to vector<16xf32>
      %swap3A_152 = vector.shape_cast %broadcast_in_dim3A_145 : vector<16xf32> to vector<1x1x16xf32>
      tpu.vector_store %arg13[%swap3A_147, %swap3A_148, %swap3A_149], %swap3A_152 {strides = array<i32>} : memref<2x128x128xf32, #tpu.memory_space<vmem>>, vector<1x1x16xf32>,
      %scan3A_153 = arith.constant 0 : i32
      scf.yield %scan3A_153 : i32
    }
    %scan3A_64 = arith.constant 128 : i32
    %run_scoped3A_65 = arith.constant 0 : i32
    %run_scoped3A_66 = arith.constant 0 : i32
    "tpu.region"() ({
      %run_scoped3A_81 = tpu.sem_alloc : memref<!tpu.dma_semaphore, #tpu.memory_space<semaphore_mem>>
      %dma_start3A_82 = arith.constant 0 : i32
      %dma_start3A_83 = arith.constant 0 : i32
      %dma_start3A_84 = tpu.memref_slice %arg13[%run_scoped3A_65, %dma_start3A_82, %dma_start3A_83] : memref<2x128x128xf32, #tpu.memory_space<vmem>> -> memref<1x128x128xf32, #tpu.memory_space<vmem>>
      %dma_start3A_85 = tpu.memref_squeeze %dma_start3A_84 : memref<1x128x128xf32, #tpu.memory_space<vmem>> -> memref<128x128xf32, #tpu.memory_space<vmem>>
      %dma_start3A_86 = arith.constant 0 : i32
      %dma_start3A_87 = tpu.memref_slice %arg14[%run_scoped3A_66, %dma_start3A_86] : memref<80x128xi32, #tpu.memory_space<vmem>> -> memref<1x128xi32, #tpu.memory_space<vmem>>
      %dma_start3A_88 = tpu.memref_squeeze %dma_start3A_87 : memref<1x128xi32, #tpu.memory_space<vmem>> -> memref<128xi32, #tpu.memory_space<vmem>>
      %dma_start3A_89 = arith.constant 0 : i32
      %dma_start3A_90 = arith.constant 0 : i32
      %dma_start3A_91 = tpu.memref_slice %arg17[%dma_start3A_89, %dma_start3A_90] : memref<8192x128xf32, #tpu.memory_space<vmem_shared>> -> memref<8192x128xf32, #tpu.memory_space<vmem_shared>>
      tpu.enqueue_indirect_dma source(%dma_start3A_85 : memref<128x128xf32, #tpu.memory_space<vmem>>) target(%dma_start3A_91 : memref<8192x128xf32, #tpu.memory_space<vmem_shared>>) offsets(%dma_start3A_88 : memref<128xi32, #tpu.memory_space<vmem>>) semaphore(%run_scoped3A_81 : memref<!tpu.dma_semaphore, #tpu.memory_space<semaphore_mem>>) {add = true}
      %dma_wait3A = arith.constant 0 : i32
      %dma_wait3A_92 = arith.constant 0 : i32
      %dma_wait3A_93 = tpu.memref_slice %arg13[%run_scoped3A_65, %dma_wait3A, %dma_wait3A_92] : memref<2x128x128xf32, #tpu.memory_space<vmem>> -> memref<1x128x128xf32, #tpu.memory_space<vmem>>
      %dma_wait3A_94 = tpu.memref_squeeze %dma_wait3A_93 : memref<1x128x128xf32, #tpu.memory_space<vmem>> -> memref<128x128xf32, #tpu.memory_space<vmem>>
      %dma_wait3A_95 = arith.constant 0 : i32
      %dma_wait3A_96 = tpu.memref_slice %arg14[%run_scoped3A_66, %dma_wait3A_95] : memref<80x128xi32, #tpu.memory_space<vmem>> -> memref<1x128xi32, #tpu.memory_space<vmem>>
      %dma_wait3A_97 = tpu.memref_squeeze %dma_wait3A_96 : memref<1x128xi32, #tpu.memory_space<vmem>> -> memref<128xi32, #tpu.memory_space<vmem>>
      %dma_wait3A_98 = arith.constant 0 : i32
      %dma_wait3A_99 = arith.constant 0 : i32
      %dma_wait3A_100 = tpu.memref_slice %arg17[%dma_wait3A_98, %dma_wait3A_99] : memref<8192x128xf32, #tpu.memory_space<vmem_shared>> -> memref<8192x128xf32, #tpu.memory_space<vmem_shared>>
      tpu.wait_indirect_dma semaphore(%run_scoped3A_81 : memref<!tpu.dma_semaphore, #tpu.memory_space<semaphore_mem>>) src(%dma_wait3A_94 : memref<128x128xf32, #tpu.memory_space<vmem>>) dst(%dma_wait3A_100 : memref<8192x128xf32, #tpu.memory_space<vmem_shared>>)
      tpu.yield
    }) : () -> ()
    "tpu.region"() ({
      %run_scoped3A_81 = tpu.sem_alloc : memref<!tpu.dma_semaphore, #tpu.memory_space<semaphore_mem>>
      %dma_start3A_82 = arith.constant 0 : i32
      %dma_start3A_83 = arith.constant 0 : i32
      %dma_start3A_84 = tpu.memref_slice %arg4[%add3A, %dma_start3A_82, %dma_start3A_83] : memref<32x4x128xi32, #tpu.memory_space<hbm>> -> memref<1x4x128xi32, #tpu.memory_space<hbm>>
      %dma_start3A_85 = tpu.memref_squeeze %dma_start3A_84 : memref<1x4x128xi32, #tpu.memory_space<hbm>> -> memref<4x128xi32, #tpu.memory_space<hbm>>
      %dma_start3A_86 = arith.constant 0 : i32
      %dma_start3A_87 = arith.constant 0 : i32
      %dma_start3A_88 = tpu.memref_slice %arg4[%add3A, %dma_start3A_86, %dma_start3A_87] : memref<32x4x128xi32, #tpu.memory_space<hbm>> -> memref<1x4x128xi32, #tpu.memory_space<hbm>>
      %dma_start3A_89 = tpu.memref_squeeze %dma_start3A_88 : memref<1x4x128xi32, #tpu.memory_space<hbm>> -> memref<4x128xi32, #tpu.memory_space<hbm>>
      tpu.enqueue_dma source(%dma_start3A_89 : memref<4x128xi32, #tpu.memory_space<hbm>>) target(%arg15 : memref<4x128xi32, #tpu.memory_space<vmem>>) target_semaphore(%run_scoped3A_81 : memref<!tpu.dma_semaphore, #tpu.memory_space<semaphore_mem>>)
      %dma_wait3A = arith.constant 0 : i32
      %dma_wait3A_90 = arith.constant 0 : i32
      %dma_wait3A_91 = tpu.memref_slice %arg4[%add3A, %dma_wait3A, %dma_wait3A_90] : memref<32x4x128xi32, #tpu.memory_space<hbm>> -> memref<1x4x128xi32, #tpu.memory_space<hbm>>
      %dma_wait3A_92 = tpu.memref_squeeze %dma_wait3A_91 : memref<1x4x128xi32, #tpu.memory_space<hbm>> -> memref<4x128xi32, #tpu.memory_space<hbm>>
      %dma_wait3A_93 = arith.constant 0 : i32
      %dma_wait3A_94 = arith.constant 0 : i32
      %dma_wait3A_95 = tpu.memref_slice %arg4[%add3A, %dma_wait3A_93, %dma_wait3A_94] : memref<32x4x128xi32, #tpu.memory_space<hbm>> -> memref<1x4x128xi32, #tpu.memory_space<hbm>>
      %dma_wait3A_96 = tpu.memref_squeeze %dma_wait3A_95 : memref<1x4x128xi32, #tpu.memory_space<hbm>> -> memref<4x128xi32, #tpu.memory_space<hbm>>
      tpu.wait_dma2 semaphore(%run_scoped3A_81 : memref<!tpu.dma_semaphore, #tpu.memory_space<semaphore_mem>>) src(%dma_wait3A_96 : memref<4x128xi32, #tpu.memory_space<hbm>>) dst(%arg15 : memref<4x128xi32, #tpu.memory_space<vmem>>)
      tpu.yield
    }) : () -> ()
    %scan3A_67 = arith.constant 0 : i32
    %scan3A_68 = arith.constant 0 : i32
    %scan3A_69 = arith.constant 4 : i32
    %scan3A_70 = arith.addi %scan3A_68, %scan3A_69 : i32
    %scan3A_71 = arith.constant 1 : i32
    %scan3A_72 = scf.for %scan3A_81 = %scan3A_68 to %scan3A_70 step %scan3A_71 iter_args(%scan3A_82 = %scan3A_67) -> (i32)  : i32 {
      %dma_start3A_83 = arith.constant 0 : i32
      %dma_start3A_84 = tpu.memref_slice %arg15[%scan3A_81, %dma_start3A_83] : memref<4x128xi32, #tpu.memory_space<vmem>> -> memref<1x128xi32, #tpu.memory_space<vmem>>
      %dma_start3A_85 = tpu.memref_squeeze %dma_start3A_84 : memref<1x128xi32, #tpu.memory_space<vmem>> -> memref<128xi32, #tpu.memory_space<vmem>>
      %dma_start3A_86 = arith.constant 0 : i32
      %dma_start3A_87 = arith.constant 0 : i32
      %dma_start3A_88 = tpu.memref_slice %arg7[%dma_start3A_86, %dma_start3A_87] : memref<1000x32xf32, #tpu.memory_space<hbm>> -> memref<1000x32xf32, #tpu.memory_space<hbm>>
      tpu.enqueue_indirect_dma source(%dma_start3A_88 : memref<1000x32xf32, #tpu.memory_space<hbm>>) target(%arg16 : memref<128x32xf32, #tpu.memory_space<vmem>>) offsets(%dma_start3A_85 : memref<128xi32, #tpu.memory_space<vmem>>) semaphore(%arg18 : memref<!tpu.dma_semaphore, #tpu.memory_space<semaphore_mem>>)
      %dma_wait3A = arith.constant 0 : i32
      %dma_wait3A_89 = tpu.memref_slice %arg15[%scan3A_81, %dma_wait3A] : memref<4x128xi32, #tpu.memory_space<vmem>> -> memref<1x128xi32, #tpu.memory_space<vmem>>
      %dma_wait3A_90 = tpu.memref_squeeze %dma_wait3A_89 : memref<1x128xi32, #tpu.memory_space<vmem>> -> memref<128xi32, #tpu.memory_space<vmem>>
      %dma_wait3A_91 = arith.constant 0 : i32
      %dma_wait3A_92 = arith.constant 0 : i32
      %dma_wait3A_93 = tpu.memref_slice %arg7[%dma_wait3A_91, %dma_wait3A_92] : memref<1000x32xf32, #tpu.memory_space<hbm>> -> memref<1000x32xf32, #tpu.memory_space<hbm>>
      tpu.wait_indirect_dma semaphore(%arg18 : memref<!tpu.dma_semaphore, #tpu.memory_space<semaphore_mem>>) src(%dma_wait3A_93 : memref<1000x32xf32, #tpu.memory_space<hbm>>) dst(%arg16 : memref<128x32xf32, #tpu.memory_space<vmem>>)
      %mul3A_94 = arith.constant 128 : i32
      %mul3A_95 = arith.muli %scan3A_81, %mul3A_94 : i32
      %add3A_96 = arith.addi %mul3A_2, %mul3A_95 : i32
      "tpu.region"() ({
        %run_scoped3A_98 = tpu.sem_alloc : memref<!tpu.dma_semaphore, #tpu.memory_space<semaphore_mem>>
        %dma_start3A_99 = arith.constant 0 : i32
        %dma_start3A_100 = tpu.memref_slice %arg10[%add3A_96, %dma_start3A_99] : memref<16384x32xf32, #tpu.memory_space<hbm>> -> memref<128x32xf32, #tpu.memory_space<hbm>>
        %dma_start3A_101 = arith.constant 0 : i32
        %dma_start3A_102 = tpu.memref_slice %arg10[%add3A_96, %dma_start3A_101] : memref<16384x32xf32, #tpu.memory_space<hbm>> -> memref<128x32xf32, #tpu.memory_space<hbm>>
        tpu.enqueue_dma source(%arg16 : memref<128x32xf32, #tpu.memory_space<vmem>>) target(%dma_start3A_102 : memref<128x32xf32, #tpu.memory_space<hbm>>) target_semaphore(%run_scoped3A_98 : memref<!tpu.dma_semaphore, #tpu.memory_space<semaphore_mem>>)
        %dma_wait3A_103 = arith.constant 0 : i32
        %dma_wait3A_104 = tpu.memref_slice %arg10[%add3A_96, %dma_wait3A_103] : memref<16384x32xf32, #tpu.memory_space<hbm>> -> memref<128x32xf32, #tpu.memory_space<hbm>>
        %dma_wait3A_105 = arith.constant 0 : i32
        %dma_wait3A_106 = tpu.memref_slice %arg10[%add3A_96, %dma_wait3A_105] : memref<16384x32xf32, #tpu.memory_space<hbm>> -> memref<128x32xf32, #tpu.memory_space<hbm>>
        tpu.wait_dma2 semaphore(%run_scoped3A_98 : memref<!tpu.dma_semaphore, #tpu.memory_space<semaphore_mem>>) src(%arg16 : memref<128x32xf32, #tpu.memory_space<vmem>>) dst(%dma_wait3A_106 : memref<128x32xf32, #tpu.memory_space<hbm>>)
        tpu.yield
      }) : () -> ()
      %scan3A_97 = arith.constant 0 : i32
      scf.yield %scan3A_97 : i32
    }
    %scan3A_73 = arith.constant 4 : i32
    "tpu.region"() ({
      %run_scoped3A_81 = tpu.sem_alloc : memref<!tpu.dma_semaphore, #tpu.memory_space<semaphore_mem>>
      %dma_start3A_82 = arith.constant 0 : i32
      %dma_start3A_83 = arith.constant 0 : i32
      %dma_start3A_84 = tpu.memref_slice %arg5[%add3A, %dma_start3A_82, %dma_start3A_83] : memref<32x4x128xi32, #tpu.memory_space<hbm>> -> memref<1x4x128xi32, #tpu.memory_space<hbm>>
      %dma_start3A_85 = tpu.memref_squeeze %dma_start3A_84 : memref<1x4x128xi32, #tpu.memory_space<hbm>> -> memref<4x128xi32, #tpu.memory_space<hbm>>
      %dma_start3A_86 = arith.constant 0 : i32
      %dma_start3A_87 = arith.constant 0 : i32
      %dma_start3A_88 = tpu.memref_slice %arg5[%add3A, %dma_start3A_86, %dma_start3A_87] : memref<32x4x128xi32, #tpu.memory_space<hbm>> -> memref<1x4x128xi32, #tpu.memory_space<hbm>>
      %dma_start3A_89 = tpu.memref_squeeze %dma_start3A_88 : memref<1x4x128xi32, #tpu.memory_space<hbm>> -> memref<4x128xi32, #tpu.memory_space<hbm>>
      tpu.enqueue_dma source(%dma_start3A_89 : memref<4x128xi32, #tpu.memory_space<hbm>>) target(%arg15 : memref<4x128xi32, #tpu.memory_space<vmem>>) target_semaphore(%run_scoped3A_81 : memref<!tpu.dma_semaphore, #tpu.memory_space<semaphore_mem>>)
      %dma_wait3A = arith.constant 0 : i32
      %dma_wait3A_90 = arith.constant 0 : i32
      %dma_wait3A_91 = tpu.memref_slice %arg5[%add3A, %dma_wait3A, %dma_wait3A_90] : memref<32x4x128xi32, #tpu.memory_space<hbm>> -> memref<1x4x128xi32, #tpu.memory_space<hbm>>
      %dma_wait3A_92 = tpu.memref_squeeze %dma_wait3A_91 : memref<1x4x128xi32, #tpu.memory_space<hbm>> -> memref<4x128xi32, #tpu.memory_space<hbm>>
      %dma_wait3A_93 = arith.constant 0 : i32
      %dma_wait3A_94 = arith.constant 0 : i32
      %dma_wait3A_95 = tpu.memref_slice %arg5[%add3A, %dma_wait3A_93, %dma_wait3A_94] : memref<32x4x128xi32, #tpu.memory_space<hbm>> -> memref<1x4x128xi32, #tpu.memory_space<hbm>>
      %dma_wait3A_96 = tpu.memref_squeeze %dma_wait3A_95 : memref<1x4x128xi32, #tpu.memory_space<hbm>> -> memref<4x128xi32, #tpu.memory_space<hbm>>
      tpu.wait_dma2 semaphore(%run_scoped3A_81 : memref<!tpu.dma_semaphore, #tpu.memory_space<semaphore_mem>>) src(%dma_wait3A_96 : memref<4x128xi32, #tpu.memory_space<hbm>>) dst(%arg15 : memref<4x128xi32, #tpu.memory_space<vmem>>)
      tpu.yield
    }) : () -> ()
    %scan3A_74 = arith.constant 0 : i32
    %scan3A_75 = arith.constant 0 : i32
    %scan3A_76 = arith.constant 4 : i32
    %scan3A_77 = arith.addi %scan3A_75, %scan3A_76 : i32
    %scan3A_78 = arith.constant 1 : i32
    %scan3A_79 = scf.for %scan3A_81 = %scan3A_75 to %scan3A_77 step %scan3A_78 iter_args(%scan3A_82 = %scan3A_74) -> (i32)  : i32 {
      %dma_start3A_83 = arith.constant 0 : i32
      %dma_start3A_84 = tpu.memref_slice %arg15[%scan3A_81, %dma_start3A_83] : memref<4x128xi32, #tpu.memory_space<vmem>> -> memref<1x128xi32, #tpu.memory_space<vmem>>
      %dma_start3A_85 = tpu.memref_squeeze %dma_start3A_84 : memref<1x128xi32, #tpu.memory_space<vmem>> -> memref<128xi32, #tpu.memory_space<vmem>>
      %dma_start3A_86 = arith.constant 0 : i32
      %dma_start3A_87 = arith.constant 0 : i32
      %dma_start3A_88 = tpu.memref_slice %arg8[%dma_start3A_86, %dma_start3A_87] : memref<1000x32xf32, #tpu.memory_space<hbm>> -> memref<1000x32xf32, #tpu.memory_space<hbm>>
      tpu.enqueue_indirect_dma source(%dma_start3A_88 : memref<1000x32xf32, #tpu.memory_space<hbm>>) target(%arg16 : memref<128x32xf32, #tpu.memory_space<vmem>>) offsets(%dma_start3A_85 : memref<128xi32, #tpu.memory_space<vmem>>) semaphore(%arg18 : memref<!tpu.dma_semaphore, #tpu.memory_space<semaphore_mem>>)
      %dma_wait3A = arith.constant 0 : i32
      %dma_wait3A_89 = tpu.memref_slice %arg15[%scan3A_81, %dma_wait3A] : memref<4x128xi32, #tpu.memory_space<vmem>> -> memref<1x128xi32, #tpu.memory_space<vmem>>
      %dma_wait3A_90 = tpu.memref_squeeze %dma_wait3A_89 : memref<1x128xi32, #tpu.memory_space<vmem>> -> memref<128xi32, #tpu.memory_space<vmem>>
      %dma_wait3A_91 = arith.constant 0 : i32
      %dma_wait3A_92 = arith.constant 0 : i32
      %dma_wait3A_93 = tpu.memref_slice %arg8[%dma_wait3A_91, %dma_wait3A_92] : memref<1000x32xf32, #tpu.memory_space<hbm>> -> memref<1000x32xf32, #tpu.memory_space<hbm>>
      tpu.wait_indirect_dma semaphore(%arg18 : memref<!tpu.dma_semaphore, #tpu.memory_space<semaphore_mem>>) src(%dma_wait3A_93 : memref<1000x32xf32, #tpu.memory_space<hbm>>) dst(%arg16 : memref<128x32xf32, #tpu.memory_space<vmem>>)
      %mul3A_94 = arith.constant 128 : i32
      %mul3A_95 = arith.muli %scan3A_81, %mul3A_94 : i32
      %add3A_96 = arith.addi %mul3A_2, %mul3A_95 : i32
      "tpu.region"() ({
        %run_scoped3A_98 = tpu.sem_alloc : memref<!tpu.dma_semaphore, #tpu.memory_space<semaphore_mem>>
        %dma_start3A_99 = arith.constant 0 : i32
        %dma_start3A_100 = tpu.memref_slice %arg11[%add3A_96, %dma_start3A_99] : memref<16384x32xf32, #tpu.memory_space<hbm>> -> memref<128x32xf32, #tpu.memory_space<hbm>>
        %dma_start3A_101 = arith.constant 0 : i32
        %dma_start3A_102 = tpu.memref_slice %arg11[%add3A_96, %dma_start3A_101] : memref<16384x32xf32, #tpu.memory_space<hbm>> -> memref<128x32xf32, #tpu.memory_space<hbm>>
        tpu.enqueue_dma source(%arg16 : memref<128x32xf32, #tpu.memory_space<vmem>>) target(%dma_start3A_102 : memref<128x32xf32, #tpu.memory_space<hbm>>) target_semaphore(%run_scoped3A_98 : memref<!tpu.dma_semaphore, #tpu.memory_space<semaphore_mem>>)
        %dma_wait3A_103 = arith.constant 0 : i32
        %dma_wait3A_104 = tpu.memref_slice %arg11[%add3A_96, %dma_wait3A_103] : memref<16384x32xf32, #tpu.memory_space<hbm>> -> memref<128x32xf32, #tpu.memory_space<hbm>>
        %dma_wait3A_105 = arith.constant 0 : i32
        %dma_wait3A_106 = tpu.memref_slice %arg11[%add3A_96, %dma_wait3A_105] : memref<16384x32xf32, #tpu.memory_space<hbm>> -> memref<128x32xf32, #tpu.memory_space<hbm>>
        tpu.wait_dma2 semaphore(%run_scoped3A_98 : memref<!tpu.dma_semaphore, #tpu.memory_space<semaphore_mem>>) src(%arg16 : memref<128x32xf32, #tpu.memory_space<vmem>>) dst(%dma_wait3A_106 : memref<128x32xf32, #tpu.memory_space<hbm>>)
        tpu.yield
      }) : () -> ()
      %scan3A_97 = arith.constant 0 : i32
      scf.yield %scan3A_97 : i32
    }
    %scan3A_80 = arith.constant 4 : i32
    "tpu.region"() ({
      %run_scoped3A_81 = tpu.sem_alloc : memref<!tpu.dma_semaphore, #tpu.memory_space<semaphore_mem>>
      %dma_start3A_82 = arith.constant 0 : i32
      %dma_start3A_83 = tpu.memref_slice %arg9[%mul3A_2, %dma_start3A_82] : memref<16384x128xf32, #tpu.memory_space<hbm>> -> memref<512x128xf32, #tpu.memory_space<hbm>>
      %dma_start3A_84 = arith.constant 0 : i32
      %dma_start3A_85 = tpu.memref_slice %arg17[%mul3A_4, %dma_start3A_84] : memref<8192x128xf32, #tpu.memory_space<vmem_shared>> -> memref<512x128xf32, #tpu.memory_space<vmem_shared>>
      tpu.enqueue_dma source(%dma_start3A_85 : memref<512x128xf32, #tpu.memory_space<vmem_shared>>) target(%dma_start3A_83 : memref<512x128xf32, #tpu.memory_space<hbm>>) target_semaphore(%run_scoped3A_81 : memref<!tpu.dma_semaphore, #tpu.memory_space<semaphore_mem>>)
      %dma_wait3A = arith.constant 0 : i32
      %dma_wait3A_86 = tpu.memref_slice %arg9[%mul3A_2, %dma_wait3A] : memref<16384x128xf32, #tpu.memory_space<hbm>> -> memref<512x128xf32, #tpu.memory_space<hbm>>
      %dma_wait3A_87 = arith.constant 0 : i32
      %dma_wait3A_88 = tpu.memref_slice %arg17[%mul3A_4, %dma_wait3A_87] : memref<8192x128xf32, #tpu.memory_space<vmem_shared>> -> memref<512x128xf32, #tpu.memory_space<vmem_shared>>
      tpu.wait_dma2 semaphore(%run_scoped3A_81 : memref<!tpu.dma_semaphore, #tpu.memory_space<semaphore_mem>>) src(%dma_wait3A_88 : memref<512x128xf32, #tpu.memory_space<vmem_shared>>) dst(%dma_wait3A_86 : memref<512x128xf32, #tpu.memory_space<hbm>>)
      tpu.yield
    }) : () -> ()
    return
  }
}

module attributes {stable_mosaic.version = 14 : i64} {
  func.func @_dense_body(%arg0: i32, %arg1: memref<2048x128xf32, #tpu.memory_space<vmem>>, %arg2: memref<2048x32xf32, #tpu.memory_space<vmem>>, %arg3: memref<2048x32xf32, #tpu.memory_space<vmem>>, %arg4: memref<128x32xf32, #tpu.memory_space<vmem>>, %arg5: memref<1x32xf32, #tpu.memory_space<vmem>>, %arg6: memref<32x128xf32, #tpu.memory_space<vmem>>, %arg7: memref<32x128xf32, #tpu.memory_space<vmem>>, %arg8: memref<32x128xf32, #tpu.memory_space<vmem>>, %arg9: memref<1x128xf32, #tpu.memory_space<vmem>>, %arg10: memref<2048x128xf32, #tpu.memory_space<vmem>>) attributes {dimension_semantics = [#tpu.dimension_semantics<arbitrary>], iteration_bounds = array<i64: 8>, scalar_prefetch = 0 : i64, scratch_operands = 0 : i64, tpu.core_type = #tpu.core_type<tc>, window_params = [{transform_indices = @transform_0, window_bounds = array<i64: 2048, 128>}, {transform_indices = @transform_1, window_bounds = array<i64: 2048, 32>}, {transform_indices = @transform_2, window_bounds = array<i64: 2048, 32>}, {pipeline_mode = #tpu.pipeline_mode<synchronous>, transform_indices = @transform_3, window_bounds = array<i64: 128, 32>}, {pipeline_mode = #tpu.pipeline_mode<synchronous>, transform_indices = @transform_4, window_bounds = array<i64: 1, 32>}, {pipeline_mode = #tpu.pipeline_mode<synchronous>, transform_indices = @transform_5, window_bounds = array<i64: 32, 128>}, {pipeline_mode = #tpu.pipeline_mode<synchronous>, transform_indices = @transform_6, window_bounds = array<i64: 32, 128>}, {pipeline_mode = #tpu.pipeline_mode<synchronous>, transform_indices = @transform_7, window_bounds = array<i64: 32, 128>}, {pipeline_mode = #tpu.pipeline_mode<synchronous>, transform_indices = @transform_8, window_bounds = array<i64: 1, 128>}, {transform_indices = @transform_9, window_bounds = array<i64: 2048, 128>}]} {
    %get3A = arith.constant 0 : index
    %get3A_0 = arith.constant 0 : index
    %get3A_1 = vector.load %arg1[%get3A, %get3A_0] : memref<2048x128xf32, #tpu.memory_space<vmem>>, vector<2048x128xf32>
    %get3A_2 = arith.constant 0 : index
    %get3A_3 = arith.constant 0 : index
    %get3A_4 = vector.load %arg4[%get3A_2, %get3A_3] : memref<128x32xf32, #tpu.memory_space<vmem>>, vector<128x32xf32>
    %dot_general3A = arith.constant dense<0.000000e+00> : vector<2048x32xf32>
    %dot_general3A_5 = tpu.matmul %get3A_1, %get3A_4, %dot_general3A {dimension_numbers = #tpu.dot_dimension_numbers<[1], [0], [0], [1], [0, 0, 1, 1], [], []>, transpose_lhs_hint = false} : vector<2048x128xf32>, vector<128x32xf32>, vector<2048x32xf32> -> vector<2048x32xf32>
    %get3A_6 = arith.constant 0 : index
    %get3A_7 = arith.constant 0 : index
    %get3A_8 = vector.load %arg5[%get3A_6, %get3A_7] : memref<1x32xf32, #tpu.memory_space<vmem>>, vector<1x32xf32>
    %add3A = vector.broadcast %get3A_8 : vector<1x32xf32> to vector<2048x32xf32>
    %add3A_9 = arith.addf %dot_general3A_5, %add3A : vector<2048x32xf32>
    %max3A = arith.constant 0.000000e+00 : f32
    %max3A_10 = vector.broadcast %max3A : f32 to vector<2048x32xf32>
    %max3A_11 = arith.maximumf %add3A_9, %max3A_10 : vector<2048x32xf32>
    %get3A_12 = arith.constant 0 : index
    %get3A_13 = arith.constant 0 : index
    %get3A_14 = vector.load %arg6[%get3A_12, %get3A_13] : memref<32x128xf32, #tpu.memory_space<vmem>>, vector<32x128xf32>
    %dot_general3A_15 = arith.constant dense<0.000000e+00> : vector<2048x128xf32>
    %dot_general3A_16 = tpu.matmul %max3A_11, %get3A_14, %dot_general3A_15 {dimension_numbers = #tpu.dot_dimension_numbers<[1], [0], [0], [1], [0, 0, 1, 1], [], []>, transpose_lhs_hint = false} : vector<2048x32xf32>, vector<32x128xf32>, vector<2048x128xf32> -> vector<2048x128xf32>
    %get3A_17 = arith.constant 0 : index
    %get3A_18 = arith.constant 0 : index
    %get3A_19 = vector.load %arg2[%get3A_17, %get3A_18] : memref<2048x32xf32, #tpu.memory_space<vmem>>, vector<2048x32xf32>
    %get3A_20 = arith.constant 0 : index
    %get3A_21 = arith.constant 0 : index
    %get3A_22 = vector.load %arg7[%get3A_20, %get3A_21] : memref<32x128xf32, #tpu.memory_space<vmem>>, vector<32x128xf32>
    %dot_general3A_23 = arith.constant dense<0.000000e+00> : vector<2048x128xf32>
    %dot_general3A_24 = tpu.matmul %get3A_19, %get3A_22, %dot_general3A_23 {dimension_numbers = #tpu.dot_dimension_numbers<[1], [0], [0], [1], [0, 0, 1, 1], [], []>, transpose_lhs_hint = false} : vector<2048x32xf32>, vector<32x128xf32>, vector<2048x128xf32> -> vector<2048x128xf32>
    %add3A_25 = arith.addf %dot_general3A_16, %dot_general3A_24 : vector<2048x128xf32>
    %get3A_26 = arith.constant 0 : index
    %get3A_27 = arith.constant 0 : index
    %get3A_28 = vector.load %arg3[%get3A_26, %get3A_27] : memref<2048x32xf32, #tpu.memory_space<vmem>>, vector<2048x32xf32>
    %get3A_29 = arith.constant 0 : index
    %get3A_30 = arith.constant 0 : index
    %get3A_31 = vector.load %arg8[%get3A_29, %get3A_30] : memref<32x128xf32, #tpu.memory_space<vmem>>, vector<32x128xf32>
    %dot_general3A_32 = arith.constant dense<0.000000e+00> : vector<2048x128xf32>
    %dot_general3A_33 = tpu.matmul %get3A_28, %get3A_31, %dot_general3A_32 {dimension_numbers = #tpu.dot_dimension_numbers<[1], [0], [0], [1], [0, 0, 1, 1], [], []>, transpose_lhs_hint = false} : vector<2048x32xf32>, vector<32x128xf32>, vector<2048x128xf32> -> vector<2048x128xf32>
    %add3A_34 = arith.addf %add3A_25, %dot_general3A_33 : vector<2048x128xf32>
    %get3A_35 = arith.constant 0 : index
    %get3A_36 = arith.constant 0 : index
    %get3A_37 = vector.load %arg9[%get3A_35, %get3A_36] : memref<1x128xf32, #tpu.memory_space<vmem>>, vector<1x128xf32>
    %add3A_38 = vector.broadcast %get3A_37 : vector<1x128xf32> to vector<2048x128xf32>
    %add3A_39 = arith.addf %add3A_34, %add3A_38 : vector<2048x128xf32>
    %max3A_40 = arith.constant 0.000000e+00 : f32
    %max3A_41 = vector.broadcast %max3A_40 : f32 to vector<2048x128xf32>
    %max3A_42 = arith.maximumf %add3A_39, %max3A_41 : vector<2048x128xf32>
    %swap3A = arith.constant 0 : index
    %swap3A_43 = arith.constant 0 : index
    %swap3A_44 = vector.load %arg10[%swap3A, %swap3A_43] : memref<2048x128xf32, #tpu.memory_space<vmem>>, vector<2048x128xf32>
    tpu.vector_store %arg10[%swap3A, %swap3A_43], %max3A_42 {strides = array<i32>} : memref<2048x128xf32, #tpu.memory_space<vmem>>, vector<2048x128xf32>,
    return
  }
  func.func @transform_0(%arg0: i32) -> (i32, i32) {
    %c0_i32 = arith.constant 0 : i32
    %c0_i32_0 = arith.constant 0 : i32
    return %arg0, %c0_i32 : i32, i32
  }
  func.func @transform_1(%arg0: i32) -> (i32, i32) {
    %c0_i32 = arith.constant 0 : i32
    %c0_i32_0 = arith.constant 0 : i32
    return %arg0, %c0_i32 : i32, i32
  }
  func.func @transform_2(%arg0: i32) -> (i32, i32) {
    %c0_i32 = arith.constant 0 : i32
    %c0_i32_0 = arith.constant 0 : i32
    return %arg0, %c0_i32 : i32, i32
  }
  func.func @transform_3(%arg0: i32) -> (i32, i32) {
    %c0_i32 = arith.constant 0 : i32
    %c0_i32_0 = arith.constant 0 : i32
    %c0_i32_1 = arith.constant 0 : i32
    return %c0_i32, %c0_i32_0 : i32, i32
  }
  func.func @transform_4(%arg0: i32) -> (i32, i32) {
    %c0_i32 = arith.constant 0 : i32
    %c0_i32_0 = arith.constant 0 : i32
    %c0_i32_1 = arith.constant 0 : i32
    return %c0_i32, %c0_i32_0 : i32, i32
  }
  func.func @transform_5(%arg0: i32) -> (i32, i32) {
    %c0_i32 = arith.constant 0 : i32
    %c0_i32_0 = arith.constant 0 : i32
    %c0_i32_1 = arith.constant 0 : i32
    return %c0_i32, %c0_i32_0 : i32, i32
  }
  func.func @transform_6(%arg0: i32) -> (i32, i32) {
    %c0_i32 = arith.constant 0 : i32
    %c0_i32_0 = arith.constant 0 : i32
    %c0_i32_1 = arith.constant 0 : i32
    return %c0_i32, %c0_i32_0 : i32, i32
  }
  func.func @transform_7(%arg0: i32) -> (i32, i32) {
    %c0_i32 = arith.constant 0 : i32
    %c0_i32_0 = arith.constant 0 : i32
    %c0_i32_1 = arith.constant 0 : i32
    return %c0_i32, %c0_i32_0 : i32, i32
  }
  func.func @transform_8(%arg0: i32) -> (i32, i32) {
    %c0_i32 = arith.constant 0 : i32
    %c0_i32_0 = arith.constant 0 : i32
    %c0_i32_1 = arith.constant 0 : i32
    return %c0_i32, %c0_i32_0 : i32, i32
  }
  func.func @transform_9(%arg0: i32) -> (i32, i32) {
    %c0_i32 = arith.constant 0 : i32
    %c0_i32_0 = arith.constant 0 : i32
    return %arg0, %c0_i32 : i32, i32
  }
}

</mosaic_0001>

<sc_bundles>
// kernel: kernel.4.cloned.1.call-start
scs
__scs_entry_jumppad:
0x0: {  	(pc) =	sbr.rel $0x88, $3  }
0x1: {  	(tag) =	ssettag $0x0;
	lr =	simm.s32 $0x1  }
0x2: {  	[smem:$0x3F97] =	sst lr;
	_ =	strace $0xD0000000  }
0x3: {  	_ = 	snop  }
0x4: {  	_ = 	snop  }
0x5: {  	_ = 	snop  }
0x6: {  	_ = 	snop  }
0x7: {  	_ = 	snop  }
__scs_overlays_trampoline_lowered:
0x8: {  	[smem:$0x3FA6] =	sst s0  }
0x9: {  	[smem:$0x3FA7] =	sst s1  }
0xa: {  	[smem:$0x3FA8] =	sst s2  }
0xb: {  	[smem:$0x3FA9] =	sst s3  }
0xc: {  	[smem:$0x3FAA] =	sst s4  }
0xd: {  	[smem:$0x3FAB] =	sst s5  }
0xe: {  	[smem:$0x3FAC] =	sst s6  }
0xf: {  	[smem:$0x3FAD] =	sst s7  }
0x10: {  	[smem:$0x3FAE] =	sst s8  }
0x11: {  	[smem:$0x3FAF] =	sst s9;
	s0 =	simm.s32 @!p0 $0x0  }
0x12: {  	s1 =	sld [smem:$0x3F95];
	s0 =	simm.s32 @p0 $0x1  }
0x13: {  	[smem:$0x3FB0] =	sst s0;
	s0 =	simm.s32 @!p1 $0x0  }
0x14: {  	s2 =	sld [smem:$0x3F94];
	s0 =	simm.s32 @p1 $0x1  }
0x15: {  	[smem:$0x3FB1] =	sst s0;
	s0 =	simm.s32 @!p2 $0x0  }
0x16: {  	s3 =	sld [smem:$0x3FDB];
	s0 =	simm.s32 @p2 $0x1  }
0x17: {  	s4 =	simm.s32 $0x1BF5;
	[smem:$0x3FB3] =	sst s0  }
0x18: {  	s0 =	sld [smem:$0x3F96];
	_ =	swait.ge [sflag:s4], $0x0  }
0x19: {  	s7 =	sld [smem:$0x3F97]  }
0x1a: {  	s8 =	sadd.s32 $0xFFFFE003, lr  }
0x1b: {  	s9 =	sadd.s32 $0xFFFFFEF7, lr;
	s5 =	simm.s32 $0xFFFFFFFF;
	p2 =	slt.u32 s8, $0xFFFFF086  }
0x1c: {  	p1 =	slt.u32 s9, $0xF7A;
	s5 =	simm.s32 @!p2 $0x0  }
0x1d: {  	s5 =	simm.s32 @p1 $0x1;
	p0 =	seq.s32 s7, s2  }
0x1e: {  	s7 =	smul.u32 @!p0 $0xF7A, s2;
	p2 =	seq.s32 @!p0 s5, $0x0  }
0x1f: {  	s9 =	smul.u32 $0xF7A, s1;
	s8 =	simm.s32 @!p0 $0x1BF5;
	p2 =	por !p2, p0  }
0x20: {  	[sflag:s8] =	ssyncset.s32 @!p0 $0xFFFFF086;
	s6 =	sadd.s32 @!p0 s3, s7;
	s7 =	simm.s32 @!p0 $0x108  }
0x21: {  	s3 =	sadd.s32 s3, s9;
	s6 =	sadd.s32 @!p0 $0x88, s6;
	s7 =	simm.s32 @p2 $0x1082  }
0x22: {  	[simem:s7], [sflag:s8] =	dma.local @!p0 [hbm:s6], $0xF7A  }
0x23: {  	s9 =	sor.u32 $0xD0000000, s2;
	s6 =	simm.s32 $0x108;
	_ =	swait.ge @!p0 [sflag:s8], $0x0  }
0x24: {  	s3 =	sadd.s32 $0x88, s3;
	s6 =	simm.s32 @!p1 $0x1082;
	[sflag:s4] =	ssyncset.s32 $0xFFFFF086  }
0x25: {  	[simem:s6], [sflag:s4] =	dma.local [hbm:s3], $0xF7A  }
0x26: {  	[smem:$0x3F97] =	sst s1;
	(tag) =	ssettag s2;
	_ =	strace s9  }
0x27: {  	s1 =	sld [smem:$0x3FA7]  }
0x28: {  	s2 =	sld [smem:$0x3FA8]  }
0x29: {  	s4 =	sld [smem:$0x3FAA]  }
0x2a: {  	p0 =	seq.s32 s5, $0x0;
	s5 =	sld [smem:$0x3FAB]  }
0x2b: {  	s6 =	sld [smem:$0x3FAC]  }
0x2c: {  	s7 =	sld [smem:$0x3FAD]  }
0x2d: {  	s3 =	simm.s32 $0x108;
	s8 =	sld [smem:$0x3FAE]  }
0x2e: {  	s3 =	simm.s32 @!p0 $0x1082;
	s9 =	sld [smem:$0x3FAF]  }
0x2f: {  	lr =	sadd.s32 s0, s3;
	s0 =	sld [smem:$0x3FA6]  }
0x30: {  	s3 =	sld [smem:$0x3FA9]  }
0x31: {  	[smem:$0x3FB2] =	sst s10  }
0x32: {  	s10 =	sld [smem:$0x3FB0];
	_ =	sdelay $0x3  }
0x33: {  	p0 =	seq.s32 s10, $0x1;
	s10 =	sld [smem:$0x3FB2];
	_ =	sdelay $0x3  }
0x34: {  	[smem:$0x3FB2] =	sst s10  }
0x35: {  	s10 =	sld [smem:$0x3FB1];
	_ =	sdelay $0x3  }
0x36: {  	p1 =	seq.s32 s10, $0x1;
	s10 =	sld [smem:$0x3FB2];
	_ =	sdelay $0x3  }
0x37: {  	[smem:$0x3FB2] =	sst s10  }
0x38: {  	s10 =	sld [smem:$0x3FB3]  }
0x39: {  	_ = 	snop;
	(pc) =	sbr.ind lr, $3  }
0x3a: {  	_ = 	snop  }
0x3b: {  	_ = 	snop  }
0x3c: {  	p2 =	seq.s32 s10, $0x1;
	s10 =	sld [smem:$0x3FB2]  }
0x3d: {  	_ =	shalt  }
0x3e: {  	_ =	shalt  }
0x3f: {  	_ =	shalt  }
0x40: {  	_ =	shalt  }
0x41: {  	_ =	shalt  }
0x42: {  	_ =	shalt  }
0x43: {  	_ =	shalt  }
0x44: {  	_ =	shalt  }
0x45: {  	_ =	shalt  }
0x46: {  	_ =	shalt  }
0x47: {  	_ =	shalt  }
0x48: {  	_ =	shalt  }
0x49: {  	_ =	shalt  }
0x4a: {  	_ =	shalt  }
0x4b: {  	_ =	shalt  }
0x4c: {  	_ =	shalt  }
0x4d: {  	_ =	shalt  }
0x4e: {  	_ =	shalt  }
0x4f: {  	_ =	shalt  }
0x50: {  	_ =	shalt  }
0x51: {  	_ =	shalt  }
0x52: {  	_ =	shalt  }
0x53: {  	_ =	shalt  }
0x54: {  	_ =	shalt  }
0x55: {  	_ =	shalt  }
0x56: {  	_ =	shalt  }
0x57: {  	_ =	shalt  }
0x58: {  	_ =	shalt  }
0x59: {  	_ =	shalt  }
0x5a: {  	_ =	shalt  }
0x5b: {  	_ =	shalt  }
0x5c: {  	_ =	shalt  }
0x5d: {  	_ =	shalt  }
0x5e: {  	_ =	shalt  }
0x5f: {  	_ =	shalt  }
0x60: {  	_ =	shalt  }
0x61: {  	_ =	shalt  }
0x62: {  	_ =	shalt  }
0x63: {  	_ =	shalt  }
0x64: {  	_ =	shalt  }
0x65: {  	_ =	shalt  }
0x66: {  	_ =	shalt  }
0x67: {  	_ =	shalt  }
0x68: {  	_ =	shalt  }
0x69: {  	_ =	shalt  }
0x6a: {  	_ =	shalt  }
0x6b: {  	_ =	shalt  }
0x6c: {  	_ =	shalt  }
0x6d: {  	_ =	shalt  }
0x6e: {  	_ =	shalt  }
0x6f: {  	_ =	shalt  }
0x70: {  	_ =	shalt  }
0x71: {  	_ =	shalt  }
0x72: {  	_ =	shalt  }
0x73: {  	_ =	shalt  }
0x74: {  	_ =	shalt  }
0x75: {  	_ =	shalt  }
0x76: {  	_ =	shalt  }
0x77: {  	_ =	shalt  }
0x78: {  	_ =	shalt  }
0x79: {  	_ =	shalt  }
0x7a: {  	_ =	shalt  }
0x7b: {  	_ =	shalt  }
0x7c: {  	_ =	shalt  }
0x7d: {  	_ =	shalt  }
0x7e: {  	_ =	shalt  }
0x7f: {  	_ =	shalt  }
0x80: {  	_ =	shalt  }
0x81: {  	_ =	shalt  }
0x82: {  	_ =	shalt  }
0x83: {  	_ =	shalt  }
0x84: {  	_ =	shalt  }
0x85: {  	_ =	shalt  }
0x86: {  	_ =	shalt  }
0x87: {  	_ =	shalt  }
.Lfunc_end0:
.L_simem_size_0:
called_computation_lowered:
.L_overlay_start_0:
0x88: {  	s2 =	sld [smem:$0x3FD9]  }
0x89: {  	s3 =	sld [smem:$0x3FFE];
	_ =	sdelay $0x1  }
0x8a: {  	s1 =	srdreg.scid  }
0x8b: {  	s0 =	sand.u32 $0x1, s1  }
0x8c: {  	s17 =	sshll.u32 s0, $0xA;
	s2 =	sadd.s32 s3, s2  }
0x8d: {  	s2 =	sadd.s32 s2, s17  }
0x8e: {  	[smem:$0x3FBE] =	sst s2  }
0x8f: {  	_ = 	snop  }
0x90: {  	s2 =	sld [smem:$0x3FC8]  }
0x91: {  	s18 =	sld [smem:$0x3FC7]  }
0x92: {  	s4 =	sld [smem:$0x3FC6]  }
0x93: {  	s5 =	sld [smem:$0x3FD0];
	(tm) =	ssettm $0x1  }
0x94: {  	s6 =	sld [smem:$0x3FFB];
	_ =	sdelay $0x3  }
0x95: {  	_ =	strace s6  }
0x96: {  	s6 =	sld [smem:$0x3FFC];
	_ =	sdelay $0x3  }
0x97: {  	_ =	strace s6  }
0x98: {  	s6 =	sld [smem:$0x3FFD];
	_ =	sdelay $0x3  }
0x99: {  	_ =	strace s6  }
0x9a: {  	_ =	strace $0x8FFFFFFF  }
0x9b: {  	s19 =	sld [smem:$0x3FDB];
	_ =	sdelay $0x1  }
0x9c: {  	s7 =	simm.s32 $_scs_section_size  }
0x9d: {  	s8 =	simm.s32 $_size__tile_overlayer_lowered;
	s9 =	simm.s32 $_tile_overlayer_lowered  }
0x9e: {  	s22 =	simm.s32 $0x1BFF;
	s21 =	sshll.u32 s9, $0x1;
	s6 =	sadd.s32 s7, s19  }
0x9f: {  	s10 =	simm.s32 $0x0;
	s20 =	sshll.u32 s8, $0x1;
	s8 =	sadd.s32 s21, s6  }
0xa0: {  	[timem:s10], [sflag:s22] =	dma.local [hbm:s8], s20  }
0xa1: {  	_ =	swait.ge [sflag:s22], s20  }
0xa2: {  	s7 =	ssub.s32 $0x0, s20;
	[sflag:s22] =	ssyncset.done $0x0  }
0xa3: {  	[sflag:s22] =	ssyncadd.s32 s7;
	_ =	sdelay $0x1  }
0xa4: {  	s23 =	simm.s32 $0x1B8B  }
0xa5: {  	_ =	swait.ge [sflag:s23], $0x1  }
0xa6: {  	[sflag:s23] =	ssyncset.done $0x0  }
0xa7: {  	s25 =	simm.s32 $0x1B8E;
	s24 =	sld [smem:$0x3FFE];
	[sflag:s23] =	ssyncadd.s32 $0xFFFFFFFF  }
0xa8: {  	s26 =	simm.s32 $execute0_lowered;
	[smem:$0x3FD2] =	sst s25  }
0xa9: {  	s8 =	sshll.u32 s26, $0x1;
	_ =	strace $0x80000046;
	[dreg:$0x1] =	wrdreg $0xFFFFFFFF  }
0xaa: {  	s28 =	simm.s32 $_size_execute0_lowered;
	s6 =	sadd.s32 s6, s8;
	[dreg:$0x0] =	wrdreg $0x0  }
0xab: {  	s8 =	sshll.u32 s28, $0x1;
	[dreg:$0x2] =	wrdreg s6  }
0xac: {  	[dreg:$0x3] =	wrdreg s8  }
0xad: {  	[dreg:$0x4] =	wrdreg $0xC0  }
0xae: {  	_ =	task [dreg:s10], $0x5FFFF  }
0xaf: {  	[dreg:$0x1] =	wrdreg $0xFFFFFFFF  }
0xb0: {  	[dreg:$0x0] =	wrdreg $0x60  }
0xb1: {  	[dreg:$0x2] =	wrdreg s24  }
0xb2: {  	[dreg:$0x3] =	wrdreg s2  }
0xb3: {  	[dreg:$0x4] =	wrdreg s18  }
0xb4: {  	[dreg:$0x5] =	wrdreg s4  }
0xb5: {  	[dreg:$0x6] =	wrdreg s5  }
0xb6: {  	[dreg:$0x7] =	wrdreg $0xE2000  }
0xb7: {  	[dreg:$0x8] =	wrdreg $0x9  }
0xb8: {  	_ =	task.clear_ibuf [dreg:s10], $0x9FFFF;
	_ =	strace $0x90000046  }
0xb9: {  	s29 =	simm.s32 $0x9;
	_ =	strace $0x80000048  }
0xba: {  	_ =	swait.ge [sflag:s29], $0x1  }
0xbb: {  	[sflag:s29] =	ssyncadd.s32 $0xFFFFFFFF  }
0xbc: {  	_ =	strace $0x90000048  }
0xbd: {  	_ =	sfence  }
0xbe: {  	s30 =	sld [smem:$0x0];
	_ =	sdelay $0x2  }
0xbf: {  	s31 =	sshll.u32 s1, $0xD;
	s1 =	sshrl.u32 s1, $0x2  }
0xc0: {  	s3 =	sand.u32 $0x4000, s31;
	s1 =	sadd.s32 s1, s30  }
0xc1: {  	s0 =	sor.u32 s3, s0;
	s1 =	sshll.u32 s1, $0x11  }
0xc2: {  	s0 =	sor.u32 s1, s0  }
0xc3: {  	s0 =	sadd.s32 $0x8F2B, s0  }
0xc4: {  	[sflag:s0] =	ssyncadd.remote.s32 $0x1  }
0xc5: {  	_ =	sfence.sel $0xFFFF  }
0xc6: {  	[dreg:$0x0] =	wrdreg $0xFFFFFFFF;
	(pc) =	sbr.abs _section_cstart, $3  }
0xc7: {  	[dreg:$0x1] =	wrdreg $0xFFFFFFFF  }
0xc8: {  	_ =	task.clear_ibuf [dreg:s10], $0x2FFFF;
	_ =	strace $0x9FFFFFFF  }
0xc9: {  	(tm) =	ssettm $0x7FFFFFFF  }
tec
execute0_lowered:
.L_overlay_start_1:
0x0: {  	(tag) =	ssettag $0x1  }
0x1: {  	s0 =	rddreg [dreg:$0x0]  }
0x2: {  	s2 =	rddreg [dreg:$0x1]  }
0x3: {  	s7 =	rddreg [dreg:$0x2]  }
0x4: {  	s3 =	srdreg.scid;
	s1 =	rddreg [dreg:$0x3]  }
0x5: {  	s15 =	stileid.u32;
	s10 =	rddreg [dreg:$0x4];
	s4 =	simm.s32 $0x0  }
0x6: {  	s28 =	simm.s32 $0x2800;
	s29 =	simm.s32 $0x80;
	s30 =	simm.s32 $0x6800  }
0x7: {  	s31 =	simm.s32 $0xD000;
	s8 =	sand.u32 $0x1, s3;
	s3 =	rddreg [dreg:$0x5]  }
0x8: {  	s14 =	sshll.u32 s15, $0x1;
	s6 =	smul.u32 $0x500, s15;
	[smem:$0x7FF] =	sst s4  }
0x9: {  	s13 =	sadd.s32 $0x12800, s0;
	s15 =	sshll.u32 s15, $0x10;
	s11 =	sor.u32 s8, s14  }
0xa: {  	_ =	strace $0x80000047;
	s8 =	ssub.s32 $0x2, s8;
	s5 =	smul.u32 $0x500, s11  }
0xb: {  	s12 =	sadd.s32 s6, s0;
	s6 =	sadd.s32 $0x2800, s0;
	s14 =	sshrl.u32 s8, $0x1  }
0xc: {  	s19 =	sshll.u32 s11, $0x6;
	s20 =	sshll.u32 s11, $0xD;
	s8 =	ssub.s32 s8, s14  }
0xd: {  	s14 =	sshll.u32 s11, $0xB;
	s16 =	sadd.s32 $0xD800, s12;
	s2 =	sadd.s32 s2, s19  }
0xe: {  	s7 =	sadd.s32 s7, s19;
	s11 =	simm.s32 $0x3;
	[dreg:$0x8] =	wrdreg s16  }
0xf: {  	s12 =	simm.s32 $0x0;
	s9 =	sadd.s32 s5, s0;
	[dreg:$0xc] =	wrdreg s2  }
0x10: {  	s5 =	sadd.s32 $0x1800, s0;
	s0 =	sadd.s32 $0x22800, s0;
	[dreg:$0xd] =	wrdreg s7  }
0x11: {  	s2 =	sadd.s32 s10, s20;
	s21 =	smax.u32 s8, $0x1;
	s22 =	sadd.s32 s13, s14  }
0x12: {  	s23 =	sor.u32 $0x200, s14;
	s24 =	sor.u32 $0x400, s14;
	s26 =	sor.u32 $0x600, s14  }
0x13: {  	s7 =	simm.s32 $0xD080;
	s8 =	simm.s32 $0xD100;
	[dreg:$0xe] =	wrdreg s2  }
0x14: {  	s10 =	simm.s32 $0xD180;
	s9 =	sadd.s32 $0x3800, s9;
	[dreg:$0xf] =	wrdreg s21  }
0x15: {  	[dreg:$0x10] =	wrdreg s22;
	s25 =	sadd.s32 s13, s23;
	s19 =	sadd.s32 s13, s24  }
0x16: {  	s20 =	sadd.s32 s13, s26;
	s21 =	sadd.s32 s0, s14;
	s22 =	sadd.s32 s0, s23  }
0x17: {  	s23 =	sadd.s32 s0, s24;
	[dreg:$0x7] =	wrdreg s9;
	s9 =	sadd.s32 s15, s3  }
0x18: {  	s24 =	sadd.s32 s0, s26;
	[dreg:$0x11] =	wrdreg s25;
	s17 =	sadd.s32 $0x4000, s9  }
0x19: {  	s26 =	simm.s32 $0xA800;
	s18 =	sadd.s32 $0x8000, s9;
	[dreg:$0x9] =	wrdreg s17  }
0x1a: {  	s2 =	simm.s32 $0xD200;
	s15 =	sadd.s32 $0xC000, s9;
	[dreg:$0xa] =	wrdreg s18  }
0x1b: {  	v0 =	vimm.f32 $0.0e+00;
	s0 =	simm.s32 $0x1;
	s25 =	simm.s32 $0x4;
	[dreg:$0xb] =	wrdreg s15  }
.LBB2_1:
0x1c: {  	s13 =	rddreg [dreg:$0x7]  }
0x1d: {  	[tilespmem:s4], [sflag:$0x4] =	stream.linear.gather [hbm4b:s13+s4], $0x2800, $0x38;
	[tilespmem:$0x1E200] =	vst v63  }
0x1e: {  	_ =	swait.ge [sflag:s25], $0x2800  }
0x1f: {  	[sflag:s25] =	ssyncset.done $0x0  }
0x20: {  	s18 =	rddreg [dreg:$0x8];
	[sflag:s25] =	ssyncadd.s32 $0xFFFFD800  }
0x21: {  	[tilespmem:s26], [sflag:$0x4] =	stream.linear.gather [hbm4b:s18+s4], $0x2800, $0x38;
	[tilespmem:$0x1E200] =	vst v63  }
0x22: {  	_ =	swait.ge [sflag:s25], $0x2800  }
0x23: {  	[sflag:s25] =	ssyncset.done $0x0  }
0x24: {  	s14 =	simm.s32 $0x200;
	s13 =	simm.s32 $0x0;
	[sflag:s25] =	ssyncadd.s32 $0xFFFFD800  }
.LBB2_2:
0x25: {  	p0 =	sne.s32 s14, $0xFE00;
	[tilespmem:s13+$0x2870] =	vst v0  }
0x26: {  	[tilespmem:s13+$0x2800] =	vst v0  }
0x27: {  	[tilespmem:s13+$0x2810] =	vst v0  }
.Ltmp0:
0x28: {  	[tilespmem:s13+$0x2820] =	vst v0;
	(pc) =	sbr.rel @p0 .LBB2_2-.Ltmp0, $4  }
0x29: {  	[tilespmem:s13+$0x2830] =	vst v0  }
0x2a: {  	[tilespmem:s13+$0x2840] =	vst v0  }
0x2b: {  	[tilespmem:s13+$0x2850] =	vst v0  }
0x2c: {  	[tilespmem:s13+$0x2860] =	vst v0;
	s13 =	sshra.s32 s14, $0x2;
	s14 =	sadd.s32 $0x200, s14  }
0x2d: {  	[tilespmem:s13+$0x2870] =	vst v0  }
0x2e: {  	[tilespmem:s13+$0x2800] =	vst v0  }
0x2f: {  	[tilespmem:s13+$0x2810] =	vst v0  }
0x30: {  	[tilespmem:s13+$0x2820] =	vst v0  }
0x31: {  	[tilespmem:s13+$0x2830] =	vst v0  }
0x32: {  	[tilespmem:s13+$0x2840] =	vst v0  }
0x33: {  	[tilespmem:s13+$0x2850] =	vst v0  }
0x34: {  	[tilespmem:s13+$0x2860] =	vst v0  }
0x35: {  	[spmem:s9] =	stream.linear.scatter [tilespmem:s28], [sflag:$0x4], $0x4000, $0x38;
	[tilespmem:$0x1E200] =	vst v63  }
0x36: {  	_ =	swait.ge [sflag:s25], $0x4000  }
0x37: {  	[sflag:s25] =	ssyncset.done $0x0  }
0x38: {  	s16 =	rddreg [dreg:$0x9];
	[sflag:s25] =	ssyncadd.s32 $0xFFFFC000  }
0x39: {  	[spmem:s16] =	stream.linear.scatter [tilespmem:s28], [sflag:$0x4], $0x4000, $0x38;
	[tilespmem:$0x1E200] =	vst v63  }
0x3a: {  	_ =	swait.ge [sflag:s25], $0x4000  }
0x3b: {  	[sflag:s25] =	ssyncset.done $0x0  }
0x3c: {  	s17 =	rddreg [dreg:$0xa];
	[sflag:s25] =	ssyncadd.s32 $0xFFFFC000  }
0x3d: {  	[spmem:s17] =	stream.linear.scatter [tilespmem:s28], [sflag:$0x4], $0x4000, $0x38;
	[tilespmem:$0x1E200] =	vst v63  }
0x3e: {  	_ =	swait.ge [sflag:s25], $0x4000  }
0x3f: {  	[sflag:s25] =	ssyncset.done $0x0  }
0x40: {  	s18 =	rddreg [dreg:$0xb];
	[sflag:s25] =	ssyncadd.s32 $0xFFFFC000  }
0x41: {  	[spmem:s18] =	stream.linear.scatter [tilespmem:s28], [sflag:$0x4], $0x4000, $0x38;
	[tilespmem:$0x1E200] =	vst v63  }
0x42: {  	_ =	swait.ge [sflag:s25], $0x4000  }
.Ltmp1:
0x43: {  	[sflag:s25] =	ssyncset.done $0x0;
	(pc) =	sbr.rel .LBB2_4-.Ltmp1, $4  }
0x44: {  	s13 =	simm.s32 $0x0;
	[sflag:s25] =	ssyncadd.s32 $0xFFFFC000  }
0x45: {  	[tilespmem:s28], [sflag:$0x2] =	stream.indirect.gather [hbm4b:s1+s29], $0x80, s13, s29, $0xb8;
	[tilespmem:$0x1E200] =	vst v63  }
0x46: {  	s14 =	simm.s32 $0xA800;
	s15 =	simm.s32 $0x100  }
0x47: {  	[tilespmem:s30], [sflag:$0x3] =	stream.indirect.gather [hbm4b:s1+s29], $0x80, s29, s29, $0xb8;
	[tilespmem:$0x1E200] =	vst v63  }
.LBB2_6:
0x48: {  	s13 =	sadd.s32 $0x1, s13  }
0x49: {  	p0 =	sne.s32 s13, $0x50  }
.Ltmp2:
0x4a: {  	_ = 	snop;
	(pc) =	sbr.rel @!p0 .LBB2_7-.Ltmp2, $2  }
0x4b: {  	_ =	sdelay $0x2  }
0x4c: {  	s14 =	sadd.s32 $0x80, s14;
	s15 =	sadd.s32 $0x80, s15  }
.LBB2_4:
0x4d: {  	s16 =	sand.u32 $0x1, s13  }
0x4e: {  	p0 =	seq.s32 s16, $0x1  }
0x4f: {  	s17 =	simm.s32 @!p0 $0x2  }
0x50: {  	_ =	swait.ge @!p0 [sflag:s17], $0x4000  }
0x51: {  	[sflag:s17] =	ssyncset.done @!p0 $0x0  }
0x52: {  	s18 =	simm.s32 @!p0 $0x2800;
	[sflag:s17] =	ssyncadd.s32 @!p0 $0xFFFFC000;
	s17 =	simm.s32 @!p0 $0x80  }
0x53: {  	[spmem:s3] =	stream.indirect.scatter.add.f32 @!p0 [tilespmem:s18], [sflag:$0x4], $0x80, s14, s17, $0xb8;
	[tilespmem:$0x1E200] =	vst v63  }
0x54: {  	s17 =	simm.s32 @!p0 $0x4  }
0x55: {  	p1 =	sgt.u32 @!p0 s13, $0x4D;
	_ =	swait.ge @!p0 [sflag:s17], $0x4000  }
0x56: {  	p1 =	por p1, p0;
	[sflag:s17] =	ssyncset.done @!p0 $0x0  }
0x57: {  	s18 =	simm.s32 @!p1 $0x2800;
	[sflag:s17] =	ssyncadd.s32 @!p0 $0xFFFFC000;
	s17 =	simm.s32 @!p1 $0x80  }
0x58: {  	[tilespmem:s18], [sflag:$0x2] =	stream.indirect.gather @!p1 [hbm4b:s1+s17], $0x80, s15, s17, $0xb8;
	[tilespmem:$0x1E200] =	vst v63  }
0x59: {  	p1 =	seq.s32 @!p0 s16, $0x0  }
0x5a: {  	p0 =	por p0, !p1  }
.Ltmp3:
0x5b: {  	_ = 	snop;
	(pc) =	sbr.rel @!p0 .LBB2_6-.Ltmp3, $1  }
0x5c: {  	_ =	sdelay $0x3  }
0x5d: {  	_ =	swait.ge [sflag:s11], $0x4000  }
0x5e: {  	[sflag:s11] =	ssyncset.done $0x0  }
0x5f: {  	[sflag:s11] =	ssyncadd.s32 $0xFFFFC000  }
0x60: {  	[spmem:s3] =	stream.indirect.scatter.add.f32 [tilespmem:s30], [sflag:$0x4], $0x80, s14, s29, $0xb8;
	[tilespmem:$0x1E200] =	vst v63  }
.Ltmp4:
0x61: {  	_ = 	snop;
	(pc) =	sbr.rel .LBB2_6-.Ltmp4, $4  }
0x62: {  	_ =	swait.ge [sflag:s25], $0x4000  }
0x63: {  	p0 =	sgt.u32 s13, $0x4D;
	[sflag:s25] =	ssyncset.done $0x0  }
0x64: {  	s16 =	simm.s32 @!p0 $0x80;
	s17 =	simm.s32 @!p0 $0x6800;
	[sflag:s25] =	ssyncadd.s32 $0xFFFFC000  }
0x65: {  	[tilespmem:s17], [sflag:$0x3] =	stream.indirect.gather @!p0 [hbm4b:s1+s16], $0x80, s15, s16, $0xb8;
	[tilespmem:$0x1E200] =	vst v63  }
.LBB2_7:
0x66: {  	s13 =	simm.s32 $0x0;
	s14 =	simm.s32 $0x200  }
.LBB2_8:
0x67: {  	p0 =	sne.s32 s14, $0xFE00;
	[tilespmem:s13+$0x2870] =	vst v0  }
0x68: {  	[tilespmem:s13+$0x2800] =	vst v0  }
0x69: {  	[tilespmem:s13+$0x2810] =	vst v0  }
.Ltmp5:
0x6a: {  	[tilespmem:s13+$0x2820] =	vst v0;
	(pc) =	sbr.rel @p0 .LBB2_8-.Ltmp5, $4  }
0x6b: {  	[tilespmem:s13+$0x2830] =	vst v0  }
0x6c: {  	[tilespmem:s13+$0x2840] =	vst v0  }
0x6d: {  	[tilespmem:s13+$0x2850] =	vst v0  }
0x6e: {  	[tilespmem:s13+$0x2860] =	vst v0;
	s13 =	sshra.s32 s14, $0x2;
	s14 =	sadd.s32 $0x200, s14  }
0x6f: {  	[tilespmem:s13+$0x2870] =	vst v0  }
0x70: {  	[tilespmem:s13+$0x2800] =	vst v0  }
0x71: {  	[tilespmem:s13+$0x2810] =	vst v0  }
0x72: {  	[tilespmem:s13+$0x2820] =	vst v0  }
0x73: {  	[tilespmem:s13+$0x2830] =	vst v0  }
0x74: {  	[tilespmem:s13+$0x2840] =	vst v0  }
0x75: {  	[tilespmem:s13+$0x2850] =	vst v0  }
0x76: {  	[tilespmem:s13+$0x2860] =	vst v0  }
0x77: {  	[spmem:s3] =	stream.indirect.scatter.add.f32 [tilespmem:s28], [sflag:$0x4], $0x80, s26, s29, $0xb8;
	[tilespmem:$0x1E200] =	vst v63  }
0x78: {  	_ =	swait.ge [sflag:s25], $0x4000  }
0x79: {  	[sflag:s25] =	ssyncset.done $0x0  }
0x7a: {  	s18 =	rddreg [dreg:$0xc];
	[sflag:s25] =	ssyncadd.s32 $0xFFFFC000  }
0x7b: {  	[tilespmem:s31], [sflag:$0x4] =	stream.linear.gather [hbm4b:s18+s4], $0x200, $0x38;
	[tilespmem:$0x1E200] =	vst v63  }
0x7c: {  	_ =	swait.ge [sflag:s25], $0x200  }
0x7d: {  	[sflag:s25] =	ssyncset.done $0x0  }
0x7e: {  	[sflag:s25] =	ssyncadd.s32 $0xFFFFFE00  }
0x7f: {  	[tilespmem:s2], [sflag:$0x1] =	stream.indirect.gather [hbm4b:s5+s29], $0x20, s31, s29, $0xb8;
	[tilespmem:$0x1E200] =	vst v63  }
0x80: {  	_ =	swait.ge [sflag:s0], $0x1000  }
0x81: {  	[sflag:s0] =	ssyncset.done $0x0  }
0x82: {  	s14 =	rddreg [dreg:$0x10];
	[sflag:s0] =	ssyncadd.s32 $0xFFFFF000  }
0x83: {  	[hbm4b:s14+s4] =	stream.linear.scatter [tilespmem:s2], [sflag:$0x4], $0x1000, $0x38;
	[tilespmem:$0x1E200] =	vst v63  }
0x84: {  	_ =	swait.ge [sflag:s25], $0x1000  }
0x85: {  	[sflag:s25] =	ssyncset.done $0x0  }
0x86: {  	[sflag:s25] =	ssyncadd.s32 $0xFFFFF000  }
0x87: {  	[tilespmem:s2], [sflag:$0x1] =	stream.indirect.gather [hbm4b:s5+s29], $0x20, s7, s29, $0xb8;
	[tilespmem:$0x1E200] =	vst v63  }
0x88: {  	_ =	swait.ge [sflag:s0], $0x1000  }
0x89: {  	[sflag:s0] =	ssyncset.done $0x0  }
0x8a: {  	s15 =	rddreg [dreg:$0x11];
	[sflag:s0] =	ssyncadd.s32 $0xFFFFF000  }
0x8b: {  	[hbm4b:s15+s4] =	stream.linear.scatter [tilespmem:s2], [sflag:$0x4], $0x1000, $0x38;
	[tilespmem:$0x1E200] =	vst v63  }
0x8c: {  	_ =	swait.ge [sflag:s25], $0x1000  }
0x8d: {  	[sflag:s25] =	ssyncset.done $0x0  }
0x8e: {  	[sflag:s25] =	ssyncadd.s32 $0xFFFFF000  }
0x8f: {  	[tilespmem:s2], [sflag:$0x1] =	stream.indirect.gather [hbm4b:s5+s29], $0x20, s8, s29, $0xb8;
	[tilespmem:$0x1E200] =	vst v63  }
0x90: {  	_ =	swait.ge [sflag:s0], $0x1000  }
0x91: {  	[sflag:s0] =	ssyncset.done $0x0  }
0x92: {  	[sflag:s0] =	ssyncadd.s32 $0xFFFFF000  }
0x93: {  	[hbm4b:s19+s4] =	stream.linear.scatter [tilespmem:s2], [sflag:$0x4], $0x1000, $0x38;
	[tilespmem:$0x1E200] =	vst v63  }
0x94: {  	_ =	swait.ge [sflag:s25], $0x1000  }
0x95: {  	[sflag:s25] =	ssyncset.done $0x0  }
0x96: {  	[sflag:s25] =	ssyncadd.s32 $0xFFFFF000  }
0x97: {  	[tilespmem:s2], [sflag:$0x1] =	stream.indirect.gather [hbm4b:s5+s29], $0x20, s10, s29, $0xb8;
	[tilespmem:$0x1E200] =	vst v63  }
0x98: {  	_ =	swait.ge [sflag:s0], $0x1000  }
0x99: {  	[sflag:s0] =	ssyncset.done $0x0  }
0x9a: {  	[sflag:s0] =	ssyncadd.s32 $0xFFFFF000  }
0x9b: {  	[hbm4b:s20+s4] =	stream.linear.scatter [tilespmem:s2], [sflag:$0x4], $0x1000, $0x38;
	[tilespmem:$0x1E200] =	vst v63  }
0x9c: {  	_ =	swait.ge [sflag:s25], $0x1000  }
0x9d: {  	[sflag:s25] =	ssyncset.done $0x0  }
0x9e: {  	s16 =	rddreg [dreg:$0xd];
	[sflag:s25] =	ssyncadd.s32 $0xFFFFF000  }
0x9f: {  	[tilespmem:s31], [sflag:$0x4] =	stream.linear.gather [hbm4b:s16+s4], $0x200, $0x38;
	[tilespmem:$0x1E200] =	vst v63  }
0xa0: {  	_ =	swait.ge [sflag:s25], $0x200  }
0xa1: {  	[sflag:s25] =	ssyncset.done $0x0  }
0xa2: {  	[sflag:s25] =	ssyncadd.s32 $0xFFFFFE00  }
0xa3: {  	[tilespmem:s2], [sflag:$0x1] =	stream.indirect.gather [hbm4b:s6+s29], $0x20, s31, s29, $0xb8;
	[tilespmem:$0x1E200] =	vst v63  }
0xa4: {  	_ =	swait.ge [sflag:s0], $0x1000  }
0xa5: {  	[sflag:s0] =	ssyncset.done $0x0  }
0xa6: {  	[sflag:s0] =	ssyncadd.s32 $0xFFFFF000  }
0xa7: {  	[hbm4b:s21+s4] =	stream.linear.scatter [tilespmem:s2], [sflag:$0x4], $0x1000, $0x38;
	[tilespmem:$0x1E200] =	vst v63  }
0xa8: {  	_ =	swait.ge [sflag:s25], $0x1000  }
0xa9: {  	[sflag:s25] =	ssyncset.done $0x0  }
0xaa: {  	[sflag:s25] =	ssyncadd.s32 $0xFFFFF000  }
0xab: {  	[tilespmem:s2], [sflag:$0x1] =	stream.indirect.gather [hbm4b:s6+s29], $0x20, s7, s29, $0xb8;
	[tilespmem:$0x1E200] =	vst v63  }
0xac: {  	_ =	swait.ge [sflag:s0], $0x1000  }
0xad: {  	[sflag:s0] =	ssyncset.done $0x0  }
0xae: {  	[sflag:s0] =	ssyncadd.s32 $0xFFFFF000  }
0xaf: {  	[hbm4b:s22+s4] =	stream.linear.scatter [tilespmem:s2], [sflag:$0x4], $0x1000, $0x38;
	[tilespmem:$0x1E200] =	vst v63  }
0xb0: {  	_ =	swait.ge [sflag:s25], $0x1000  }
0xb1: {  	[sflag:s25] =	ssyncset.done $0x0  }
0xb2: {  	[sflag:s25] =	ssyncadd.s32 $0xFFFFF000  }
0xb3: {  	[tilespmem:s2], [sflag:$0x1] =	stream.indirect.gather [hbm4b:s6+s29], $0x20, s8, s29, $0xb8;
	[tilespmem:$0x1E200] =	vst v63  }
0xb4: {  	_ =	swait.ge [sflag:s0], $0x1000  }
0xb5: {  	[sflag:s0] =	ssyncset.done $0x0  }
0xb6: {  	[sflag:s0] =	ssyncadd.s32 $0xFFFFF000  }
0xb7: {  	[hbm4b:s23+s4] =	stream.linear.scatter [tilespmem:s2], [sflag:$0x4], $0x1000, $0x38;
	[tilespmem:$0x1E200] =	vst v63  }
0xb8: {  	_ =	swait.ge [sflag:s25], $0x1000  }
0xb9: {  	[sflag:s25] =	ssyncset.done $0x0  }
0xba: {  	[sflag:s25] =	ssyncadd.s32 $0xFFFFF000  }
0xbb: {  	[tilespmem:s2], [sflag:$0x1] =	stream.indirect.gather [hbm4b:s6+s29], $0x20, s10, s29, $0xb8;
	[tilespmem:$0x1E200] =	vst v63  }
0xbc: {  	_ =	swait.ge [sflag:s0], $0x1000  }
0xbd: {  	[sflag:s0] =	ssyncset.done $0x0  }
0xbe: {  	s17 =	stileid.u32;
	[sflag:s0] =	ssyncadd.s32 $0xFFFFF000  }
0xbf: {  	[hbm4b:s24+s4] =	stream.linear.scatter [tilespmem:s2], [sflag:$0x4], $0x1000, $0x38;
	[tilespmem:$0x1E200] =	vst v63  }
0xc0: {  	s13 =	sshll.u32 s17, $0x6;
	_ =	swait.ge [sflag:s25], $0x1000  }
0xc1: {  	s13 =	sor.u32 $0x1C04, s13;
	[sflag:s25] =	ssyncset.done $0x0  }
0xc2: {  	s14 =	sshrl.u32 s9, $0x3;
	s15 =	rddreg [dreg:$0xe];
	[sflag:s25] =	ssyncadd.s32 $0xFFFFF000  }
0xc3: {  	[hbm:s15], [sflag:s13] =	dma.local [spmem:s14], $0x2000  }
0xc4: {  	_ =	swait.ge [sflag:s25], $0x2000  }
0xc5: {  	s12 =	sadd.s32 $0x1, s12;
	s18 =	rddreg [dreg:$0xf]  }
0xc6: {  	p0 =	sne.s32 s12, s18  }
.Ltmp6:
0xc7: {  	_ = 	snop;
	(pc) =	sbr.rel @p0 .LBB2_1-.Ltmp6, $3  }
0xc8: {  	_ =	sdelay $0x1  }
0xc9: {  	[sflag:s25] =	ssyncset.done $0x0  }
0xca: {  	[sflag:s25] =	ssyncadd.s32 $0xFFFFE000  }
0xcb: {  	_ =	sfence.sel $0x180000  }
0xcc: {  	[bflag:$0x0] =	sbarrier.arrive $0xFFFF  }
0xcd: {  	_ =	strace $0x90000047  }
0xce: {  	s0 =	stileid.u32;
	[bflag:$0x2] =	sbarrier.arrive $0xFFFF  }
0xcf: {  	p0 =	sne.s32 s0, $0x0;
	s0 =	rddreg [dreg:$0x6]  }
0xd0: {  	s0 =	sadd.s32 @!p0 $0x100000, s0  }
0xd1: {  	[sflag:s0] =	ssyncadd.tile.s32 @!p0 $0x1;
	_ =	shalt  }
.Lfunc_end2:
_tile_overlayer_lowered:
.L_overlay_start_2:
0xd2: {  	(tag) =	ssettag $0x2  }
0xd3: {  	s0 =	rddreg [dreg:$0x0];
	s2 =	stileid.u32  }
0xd4: {  	s1 =	rddreg [dreg:$0x1];
	p0 =	sne.s32 s2, $0x0  }
0xd5: {  	s3 =	rddreg [dreg:$0x2];
	[bflag:$0x3] =	sbarrier.arrive $0xFFFF;
	s2 =	simm.s32 @!p0 $0x1C04  }
0xd6: {  	[timem:s3], [sflag:s2] =	dma.local @!p0 [hbm:s0], s1  }
0xd7: {  	s0 =	simm.s32 @!p0 $0x4  }
0xd8: {  	_ =	swait.ge @!p0 [sflag:s0], s1  }
0xd9: {  	s1 =	ssub.s32 @!p0 $0x0, s1;
	[sflag:s0] =	ssyncset.done @!p0 $0x0  }
0xda: {  	[sflag:s0] =	ssyncadd.s32 @!p0 s1  }
0xdb: {  	[bflag:$0x3] =	sbarrier.arrive $0xFFFF  }
0xdc: {  	_ =	shalt  }

</sc_bundles>
